<compile_context>
chip_gen: v7x
topology: tpu7x:2x2x1
jax: 0.10.2.dev20260603
libtpu: 0.0.44.dev20260713+nightly
codegen_flags: <defaults>
</compile_context>

<pallas_src>
import functools

import jax
import jax.numpy as jnp
from jax import lax
from jax.experimental import pallas as pl
from jax.experimental.pallas import tpu as pltpu
from jax.experimental.pallas import tpu_sc as plsc

_NUM_ROWS = 100000
_ROWS_PAD = 100096
_DIM = 64
_BATCH = 16384

_info = plsc.get_sparse_core_info()
_NC, _NS = _info.num_cores, _info.num_subcores
_NW = _NC * _NS
_D_PER_W = _DIM // _NW
_CHUNK = 4096
_NCHUNK = _BATCH // _CHUNK

_mesh = plsc.VectorSubcoreMesh(core_axis_name="c", subcore_axis_name="s")


@functools.partial(
    pl.kernel,
    mesh=_mesh,
    out_type=jax.ShapeDtypeStruct((_DIM, _BATCH), jnp.float32),
    scratch_types=[
        pltpu.VMEM((_ROWS_PAD,), jnp.float32),
        pltpu.VMEM((_BATCH,), jnp.int32),
        pltpu.VMEM((_CHUNK,), jnp.float32),
        pltpu.VMEM((_CHUNK,), jnp.float32),
        pltpu.SemaphoreType.DMA,
        pltpu.SemaphoreType.DMA,
    ],
    compiler_params=pltpu.CompilerParams(
        needs_layout_passes=False, disable_bounds_checks=True
    ),
)
def _gather_kernel(table_hbm, idx_hbm, out_hbm, seg_v, idx_v, val_a, val_b, sem, wsem):
    wid = lax.axis_index("s") * _NC + lax.axis_index("c")
    pltpu.sync_copy(idx_hbm, idx_v)

    _UNROLL = 8

    for t in range(_D_PER_W):
        d = wid * _D_PER_W + t
        pltpu.sync_copy(table_hbm.at[d], seg_v)
        writes = []
        for c in range(_NCHUNK):
            buf = val_a if c % 2 == 0 else val_b
            if len(writes) >= 2:
                writes[-2].wait()

            def body(i, carry):
                base = i * (16 * _UNROLL)
                for u in range(_UNROLL):
                    lanes = idx_v[pl.ds(c * _CHUNK + base + u * 16, 16)]
                    vals = plsc.load_gather(seg_v, [lanes])
                    buf[pl.ds(base + u * 16, 16)] = vals
                return carry

            lax.fori_loop(0, _CHUNK // (16 * _UNROLL), body, 0)
            writes.append(
                pltpu.async_copy(buf, out_hbm.at[d, pl.ds(c * _CHUNK, _CHUNK)], wsem)
            )
        writes[-2].wait()
        writes[-1].wait()


def kernel(style_id, embeddings):
    idx = style_id.astype(jnp.int32)
    table_t = jnp.pad(embeddings.T, ((0, 0), (0, _ROWS_PAD - _NUM_ROWS)))
    out_t = _gather_kernel(table_t, idx)
    return out_t.T

# --- scband reference (transcript-rebuilt; emitter-appended) ---
"""Pipeline reference for scband-style-embedding-807453851996 (READ-ONLY COPY).

The authoritative reference and input builder live on the scoring server;
editing this copy changes nothing except your own understanding.
"""

import jax, jax.numpy as jnp
import numpy as np

NUM_STYLES = 100000
STYLE_DIM = 64
BATCH = 16384

def setup_inputs(seed: int = 0) -> dict:
    key = jax.random.key(seed)
    k1, k2 = jax.random.split(key)
    style_id = jax.random.randint(k1, (BATCH,), 0, NUM_STYLES, dtype=jnp.int64 if jax.config.jax_enable_x64 else jnp.int32)
    embeddings = jax.random.normal(k2, (NUM_STYLES, STYLE_DIM), dtype=jnp.float32)
    return {"style_id": style_id, "embeddings": embeddings}

def reference(style_id, embeddings):
    # StyleEmbedding.forward with use_avg=False: plain embedding lookup
    emb = jnp.take(embeddings, style_id, axis=0)  # [B, style_dim]
    return emb

if __name__ == "__main__":
    import jax
    _d = setup_inputs()
    print(jax.jit(kernel)(*tuple(_d.values())))

</pallas_src>

<mosaic_0001>
#map = affine_map<(d0, d1) -> (0, 0)>
#map1 = affine_map<(d0, d1) -> (0)>
module attributes {stable_mosaic.version = 14 : i64} {
  func.func @_gather_kernel(%arg0: i32, %arg1: i32, %arg2: memref<64x100096xf32, #tpu.memory_space<hbm>>, %arg3: memref<16384xi32, #tpu.memory_space<hbm>>, %arg4: memref<64x16384xf32, #tpu.memory_space<hbm>>, %arg5: memref<100096xf32, #tpu.memory_space<vmem>>, %arg6: memref<16384xi32, #tpu.memory_space<vmem>>, %arg7: memref<4096xf32, #tpu.memory_space<vmem>>, %arg8: memref<4096xf32, #tpu.memory_space<vmem>>, %arg9: memref<!tpu.dma_semaphore, #tpu.memory_space<semaphore_mem>>, %arg10: memref<!tpu.dma_semaphore, #tpu.memory_space<semaphore_mem>>) attributes {dimension_semantics = [#tpu.dimension_semantics<core_parallel>, #tpu.dimension_semantics<subcore_parallel>], iteration_bounds = array<i64: 2, 16>, scalar_prefetch = 0 : i64, scratch_operands = 6 : i64, tpu.core_type = #tpu.core_type<sc_vector_subcore>, window_params = [{transform_indices = #map}, {transform_indices = #map1}, {transform_indices = #map}]} {
    %mul3A = arith.constant 2 : i32
    %mul3A_0 = arith.muli %arg1, %mul3A : i32
    %add3A = arith.addi %mul3A_0, %arg0 : i32
    "tpu.region"() ({
      %run_scoped3A = tpu.sem_alloc : memref<!tpu.dma_semaphore, #tpu.memory_space<semaphore_mem>>
      tpu.enqueue_dma source(%arg3 : memref<16384xi32, #tpu.memory_space<hbm>>) target(%arg6 : memref<16384xi32, #tpu.memory_space<vmem>>) target_semaphore(%run_scoped3A : memref<!tpu.dma_semaphore, #tpu.memory_space<semaphore_mem>>)
      tpu.wait_dma2 semaphore(%run_scoped3A : memref<!tpu.dma_semaphore, #tpu.memory_space<semaphore_mem>>) src(%arg3 : memref<16384xi32, #tpu.memory_space<hbm>>) dst(%arg6 : memref<16384xi32, #tpu.memory_space<vmem>>)
      tpu.yield
    }) : () -> ()
    %mul3A_1 = arith.constant 2 : i32
    %mul3A_2 = arith.muli %add3A, %mul3A_1 : i32
    %add3A_3 = arith.constant 0 : i32
    %add3A_4 = arith.addi %mul3A_2, %add3A_3 : i32
    "tpu.region"() ({
      %run_scoped3A = tpu.sem_alloc : memref<!tpu.dma_semaphore, #tpu.memory_space<semaphore_mem>>
      %dma_start3A_150 = arith.constant 0 : i32
      %dma_start3A_151 = tpu.memref_slice %arg2[%add3A_4, %dma_start3A_150] : memref<64x100096xf32, #tpu.memory_space<hbm>> -> memref<1x100096xf32, #tpu.memory_space<hbm>>
      %dma_start3A_152 = tpu.memref_squeeze %dma_start3A_151 : memref<1x100096xf32, #tpu.memory_space<hbm>> -> memref<100096xf32, #tpu.memory_space<hbm>>
      %dma_start3A_153 = arith.constant 0 : i32
      %dma_start3A_154 = tpu.memref_slice %arg2[%add3A_4, %dma_start3A_153] : memref<64x100096xf32, #tpu.memory_space<hbm>> -> memref<1x100096xf32, #tpu.memory_space<hbm>>
      %dma_start3A_155 = tpu.memref_squeeze %dma_start3A_154 : memref<1x100096xf32, #tpu.memory_space<hbm>> -> memref<100096xf32, #tpu.memory_space<hbm>>
      tpu.enqueue_dma source(%dma_start3A_155 : memref<100096xf32, #tpu.memory_space<hbm>>) target(%arg5 : memref<100096xf32, #tpu.memory_space<vmem>>) target_semaphore(%run_scoped3A : memref<!tpu.dma_semaphore, #tpu.memory_space<semaphore_mem>>)
      %dma_wait3A_156 = arith.constant 0 : i32
      %dma_wait3A_157 = tpu.memref_slice %arg2[%add3A_4, %dma_wait3A_156] : memref<64x100096xf32, #tpu.memory_space<hbm>> -> memref<1x100096xf32, #tpu.memory_space<hbm>>
      %dma_wait3A_158 = tpu.memref_squeeze %dma_wait3A_157 : memref<1x100096xf32, #tpu.memory_space<hbm>> -> memref<100096xf32, #tpu.memory_space<hbm>>
      %dma_wait3A_159 = arith.constant 0 : i32
      %dma_wait3A_160 = tpu.memref_slice %arg2[%add3A_4, %dma_wait3A_159] : memref<64x100096xf32, #tpu.memory_space<hbm>> -> memref<1x100096xf32, #tpu.memory_space<hbm>>
      %dma_wait3A_161 = tpu.memref_squeeze %dma_wait3A_160 : memref<1x100096xf32, #tpu.memory_space<hbm>> -> memref<100096xf32, #tpu.memory_space<hbm>>
      tpu.wait_dma2 semaphore(%run_scoped3A : memref<!tpu.dma_semaphore, #tpu.memory_space<semaphore_mem>>) src(%dma_wait3A_161 : memref<100096xf32, #tpu.memory_space<hbm>>) dst(%arg5 : memref<100096xf32, #tpu.memory_space<vmem>>)
      tpu.yield
    }) : () -> ()
    %scan3A = arith.constant 0 : i32
    %scan3A_5 = arith.constant 0 : i32
    %scan3A_6 = arith.constant 32 : i32
    %scan3A_7 = arith.addi %scan3A_5, %scan3A_6 : i32
    %scan3A_8 = arith.constant 1 : i32
    scf.for %scan3A_150 = %scan3A_5 to %scan3A_7 step %scan3A_8  : i32 {
      %mul3A_151 = arith.constant 128 : i32
      %mul3A_152 = arith.muli %scan3A_150, %mul3A_151 : i32
      %add3A_153 = arith.constant 0 : i32
      %add3A_154 = arith.addi %add3A_153, %mul3A_152 : i32
      %add3A_155 = arith.constant 0 : i32
      %add3A_156 = arith.addi %add3A_154, %add3A_155 : i32
      %get3A = arith.index_cast %add3A_156 : i32 to index
      %get3A_157 = tpu.vector_load %arg6[%get3A] {strides = array<i32>} : memref<16384xi32, #tpu.memory_space<vmem>>, vector<16xi32>,
      %gather3A = tpu.vector_load_idx %arg5[%get3A_157] : memref<100096xf32, #tpu.memory_space<vmem>>[vector<16xi32>], vector<16xf32>,
      %add3A_158 = arith.constant 0 : i32
      %add3A_159 = arith.addi %mul3A_152, %add3A_158 : i32
      %swap3A = arith.index_cast %add3A_159 : i32 to index
      %swap3A_160 = tpu.vector_load %arg7[%swap3A] {strides = array<i32>} : memref<4096xf32, #tpu.memory_space<vmem>>, vector<16xf32>,
      tpu.vector_store %arg7[%swap3A], %gather3A {strides = array<i32>} : memref<4096xf32, #tpu.memory_space<vmem>>, vector<16xf32>,
      %add3A_161 = arith.constant 0 : i32
      %add3A_162 = arith.addi %add3A_161, %mul3A_152 : i32
      %add3A_163 = arith.constant 16 : i32
      %add3A_164 = arith.addi %add3A_162, %add3A_163 : i32
      %get3A_165 = arith.index_cast %add3A_164 : i32 to index
      %get3A_166 = tpu.vector_load %arg6[%get3A_165] {strides = array<i32>} : memref<16384xi32, #tpu.memory_space<vmem>>, vector<16xi32>,
      %gather3A_167 = tpu.vector_load_idx %arg5[%get3A_166] : memref<100096xf32, #tpu.memory_space<vmem>>[vector<16xi32>], vector<16xf32>,
      %add3A_168 = arith.constant 16 : i32
      %add3A_169 = arith.addi %mul3A_152, %add3A_168 : i32
      %swap3A_170 = arith.index_cast %add3A_169 : i32 to index
      %swap3A_171 = tpu.vector_load %arg7[%swap3A_170] {strides = array<i32>} : memref<4096xf32, #tpu.memory_space<vmem>>, vector<16xf32>,
      tpu.vector_store %arg7[%swap3A_170], %gather3A_167 {strides = array<i32>} : memref<4096xf32, #tpu.memory_space<vmem>>, vector<16xf32>,
      %add3A_172 = arith.constant 0 : i32
      %add3A_173 = arith.addi %add3A_172, %mul3A_152 : i32
      %add3A_174 = arith.constant 32 : i32
      %add3A_175 = arith.addi %add3A_173, %add3A_174 : i32
      %get3A_176 = arith.index_cast %add3A_175 : i32 to index
      %get3A_177 = tpu.vector_load %arg6[%get3A_176] {strides = array<i32>} : memref<16384xi32, #tpu.memory_space<vmem>>, vector<16xi32>,
      %gather3A_178 = tpu.vector_load_idx %arg5[%get3A_177] : memref<100096xf32, #tpu.memory_space<vmem>>[vector<16xi32>], vector<16xf32>,
      %add3A_179 = arith.constant 32 : i32
      %add3A_180 = arith.addi %mul3A_152, %add3A_179 : i32
      %swap3A_181 = arith.index_cast %add3A_180 : i32 to index
      %swap3A_182 = tpu.vector_load %arg7[%swap3A_181] {strides = array<i32>} : memref<4096xf32, #tpu.memory_space<vmem>>, vector<16xf32>,
      tpu.vector_store %arg7[%swap3A_181], %gather3A_178 {strides = array<i32>} : memref<4096xf32, #tpu.memory_space<vmem>>, vector<16xf32>,
      %add3A_183 = arith.constant 0 : i32
      %add3A_184 = arith.addi %add3A_183, %mul3A_152 : i32
      %add3A_185 = arith.constant 48 : i32
      %add3A_186 = arith.addi %add3A_184, %add3A_185 : i32
      %get3A_187 = arith.index_cast %add3A_186 : i32 to index
      %get3A_188 = tpu.vector_load %arg6[%get3A_187] {strides = array<i32>} : memref<16384xi32, #tpu.memory_space<vmem>>, vector<16xi32>,
      %gather3A_189 = tpu.vector_load_idx %arg5[%get3A_188] : memref<100096xf32, #tpu.memory_space<vmem>>[vector<16xi32>], vector<16xf32>,
      %add3A_190 = arith.constant 48 : i32
      %add3A_191 = arith.addi %mul3A_152, %add3A_190 : i32
      %swap3A_192 = arith.index_cast %add3A_191 : i32 to index
      %swap3A_193 = tpu.vector_load %arg7[%swap3A_192] {strides = array<i32>} : memref<4096xf32, #tpu.memory_space<vmem>>, vector<16xf32>,
      tpu.vector_store %arg7[%swap3A_192], %gather3A_189 {strides = array<i32>} : memref<4096xf32, #tpu.memory_space<vmem>>, vector<16xf32>,
      %add3A_194 = arith.constant 0 : i32
      %add3A_195 = arith.addi %add3A_194, %mul3A_152 : i32
      %add3A_196 = arith.constant 64 : i32
      %add3A_197 = arith.addi %add3A_195, %add3A_196 : i32
      %get3A_198 = arith.index_cast %add3A_197 : i32 to index
      %get3A_199 = tpu.vector_load %arg6[%get3A_198] {strides = array<i32>} : memref<16384xi32, #tpu.memory_space<vmem>>, vector<16xi32>,
      %gather3A_200 = tpu.vector_load_idx %arg5[%get3A_199] : memref<100096xf32, #tpu.memory_space<vmem>>[vector<16xi32>], vector<16xf32>,
      %add3A_201 = arith.constant 64 : i32
      %add3A_202 = arith.addi %mul3A_152, %add3A_201 : i32
      %swap3A_203 = arith.index_cast %add3A_202 : i32 to index
      %swap3A_204 = tpu.vector_load %arg7[%swap3A_203] {strides = array<i32>} : memref<4096xf32, #tpu.memory_space<vmem>>, vector<16xf32>,
      tpu.vector_store %arg7[%swap3A_203], %gather3A_200 {strides = array<i32>} : memref<4096xf32, #tpu.memory_space<vmem>>, vector<16xf32>,
      %add3A_205 = arith.constant 0 : i32
      %add3A_206 = arith.addi %add3A_205, %mul3A_152 : i32
      %add3A_207 = arith.constant 80 : i32
      %add3A_208 = arith.addi %add3A_206, %add3A_207 : i32
      %get3A_209 = arith.index_cast %add3A_208 : i32 to index
      %get3A_210 = tpu.vector_load %arg6[%get3A_209] {strides = array<i32>} : memref<16384xi32, #tpu.memory_space<vmem>>, vector<16xi32>,
      %gather3A_211 = tpu.vector_load_idx %arg5[%get3A_210] : memref<100096xf32, #tpu.memory_space<vmem>>[vector<16xi32>], vector<16xf32>,
      %add3A_212 = arith.constant 80 : i32
      %add3A_213 = arith.addi %mul3A_152, %add3A_212 : i32
      %swap3A_214 = arith.index_cast %add3A_213 : i32 to index
      %swap3A_215 = tpu.vector_load %arg7[%swap3A_214] {strides = array<i32>} : memref<4096xf32, #tpu.memory_space<vmem>>, vector<16xf32>,
      tpu.vector_store %arg7[%swap3A_214], %gather3A_211 {strides = array<i32>} : memref<4096xf32, #tpu.memory_space<vmem>>, vector<16xf32>,
      %add3A_216 = arith.constant 0 : i32
      %add3A_217 = arith.addi %add3A_216, %mul3A_152 : i32
      %add3A_218 = arith.constant 96 : i32
      %add3A_219 = arith.addi %add3A_217, %add3A_218 : i32
      %get3A_220 = arith.index_cast %add3A_219 : i32 to index
      %get3A_221 = tpu.vector_load %arg6[%get3A_220] {strides = array<i32>} : memref<16384xi32, #tpu.memory_space<vmem>>, vector<16xi32>,
      %gather3A_222 = tpu.vector_load_idx %arg5[%get3A_221] : memref<100096xf32, #tpu.memory_space<vmem>>[vector<16xi32>], vector<16xf32>,
      %add3A_223 = arith.constant 96 : i32
      %add3A_224 = arith.addi %mul3A_152, %add3A_223 : i32
      %swap3A_225 = arith.index_cast %add3A_224 : i32 to index
      %swap3A_226 = tpu.vector_load %arg7[%swap3A_225] {strides = array<i32>} : memref<4096xf32, #tpu.memory_space<vmem>>, vector<16xf32>,
      tpu.vector_store %arg7[%swap3A_225], %gather3A_222 {strides = array<i32>} : memref<4096xf32, #tpu.memory_space<vmem>>, vector<16xf32>,
      %add3A_227 = arith.constant 0 : i32
      %add3A_228 = arith.addi %add3A_227, %mul3A_152 : i32
      %add3A_229 = arith.constant 112 : i32
      %add3A_230 = arith.addi %add3A_228, %add3A_229 : i32
      %get3A_231 = arith.index_cast %add3A_230 : i32 to index
      %get3A_232 = tpu.vector_load %arg6[%get3A_231] {strides = array<i32>} : memref<16384xi32, #tpu.memory_space<vmem>>, vector<16xi32>,
      %gather3A_233 = tpu.vector_load_idx %arg5[%get3A_232] : memref<100096xf32, #tpu.memory_space<vmem>>[vector<16xi32>], vector<16xf32>,
      %add3A_234 = arith.constant 112 : i32
      %add3A_235 = arith.addi %mul3A_152, %add3A_234 : i32
      %swap3A_236 = arith.index_cast %add3A_235 : i32 to index
      %swap3A_237 = tpu.vector_load %arg7[%swap3A_236] {strides = array<i32>} : memref<4096xf32, #tpu.memory_space<vmem>>, vector<16xf32>,
      tpu.vector_store %arg7[%swap3A_236], %gather3A_233 {strides = array<i32>} : memref<4096xf32, #tpu.memory_space<vmem>>, vector<16xf32>,
    }
    %scan3A_9 = arith.constant 32 : i32
    %dma_start3A = arith.constant 0 : i32
    %dma_start3A_10 = tpu.memref_slice %arg4[%add3A_4, %dma_start3A] : memref<64x16384xf32, #tpu.memory_space<hbm>> -> memref<1x4096xf32, #tpu.memory_space<hbm>>
    %dma_start3A_11 = tpu.memref_squeeze %dma_start3A_10 : memref<1x4096xf32, #tpu.memory_space<hbm>> -> memref<4096xf32, #tpu.memory_space<hbm>>
    %dma_start3A_12 = arith.constant 0 : i32
    %dma_start3A_13 = tpu.memref_slice %arg4[%add3A_4, %dma_start3A_12] : memref<64x16384xf32, #tpu.memory_space<hbm>> -> memref<1x4096xf32, #tpu.memory_space<hbm>>
    %dma_start3A_14 = tpu.memref_squeeze %dma_start3A_13 : memref<1x4096xf32, #tpu.memory_space<hbm>> -> memref<4096xf32, #tpu.memory_space<hbm>>
    tpu.enqueue_dma source(%arg7 : memref<4096xf32, #tpu.memory_space<vmem>>) target(%dma_start3A_14 : memref<4096xf32, #tpu.memory_space<hbm>>) target_semaphore(%arg10 : memref<!tpu.dma_semaphore, #tpu.memory_space<semaphore_mem>>)
    %scan3A_15 = arith.constant 0 : i32
    %scan3A_16 = arith.constant 0 : i32
    %scan3A_17 = arith.constant 32 : i32
    %scan3A_18 = arith.addi %scan3A_16, %scan3A_17 : i32
    %scan3A_19 = arith.constant 1 : i32
    scf.for %scan3A_150 = %scan3A_16 to %scan3A_18 step %scan3A_19  : i32 {
      %mul3A_151 = arith.constant 128 : i32
      %mul3A_152 = arith.muli %scan3A_150, %mul3A_151 : i32
      %add3A_153 = arith.constant 4096 : i32
      %add3A_154 = arith.addi %add3A_153, %mul3A_152 : i32
      %add3A_155 = arith.constant 0 : i32
      %add3A_156 = arith.addi %add3A_154, %add3A_155 : i32
      %get3A = arith.index_cast %add3A_156 : i32 to index
      %get3A_157 = tpu.vector_load %arg6[%get3A] {strides = array<i32>} : memref<16384xi32, #tpu.memory_space<vmem>>, vector<16xi32>,
      %gather3A = tpu.vector_load_idx %arg5[%get3A_157] : memref<100096xf32, #tpu.memory_space<vmem>>[vector<16xi32>], vector<16xf32>,
      %add3A_158 = arith.constant 0 : i32
      %add3A_159 = arith.addi %mul3A_152, %add3A_158 : i32
      %swap3A = arith.index_cast %add3A_159 : i32 to index
      %swap3A_160 = tpu.vector_load %arg8[%swap3A] {strides = array<i32>} : memref<4096xf32, #tpu.memory_space<vmem>>, vector<16xf32>,
      tpu.vector_store %arg8[%swap3A], %gather3A {strides = array<i32>} : memref<4096xf32, #tpu.memory_space<vmem>>, vector<16xf32>,
      %add3A_161 = arith.constant 4096 : i32
      %add3A_162 = arith.addi %add3A_161, %mul3A_152 : i32
      %add3A_163 = arith.constant 16 : i32
      %add3A_164 = arith.addi %add3A_162, %add3A_163 : i32
      %get3A_165 = arith.index_cast %add3A_164 : i32 to index
      %get3A_166 = tpu.vector_load %arg6[%get3A_165] {strides = array<i32>} : memref<16384xi32, #tpu.memory_space<vmem>>, vector<16xi32>,
      %gather3A_167 = tpu.vector_load_idx %arg5[%get3A_166] : memref<100096xf32, #tpu.memory_space<vmem>>[vector<16xi32>], vector<16xf32>,
      %add3A_168 = arith.constant 16 : i32
      %add3A_169 = arith.addi %mul3A_152, %add3A_168 : i32
      %swap3A_170 = arith.index_cast %add3A_169 : i32 to index
      %swap3A_171 = tpu.vector_load %arg8[%swap3A_170] {strides = array<i32>} : memref<4096xf32, #tpu.memory_space<vmem>>, vector<16xf32>,
      tpu.vector_store %arg8[%swap3A_170], %gather3A_167 {strides = array<i32>} : memref<4096xf32, #tpu.memory_space<vmem>>, vector<16xf32>,
      %add3A_172 = arith.constant 4096 : i32
      %add3A_173 = arith.addi %add3A_172, %mul3A_152 : i32
      %add3A_174 = arith.constant 32 : i32
      %add3A_175 = arith.addi %add3A_173, %add3A_174 : i32
      %get3A_176 = arith.index_cast %add3A_175 : i32 to index
      %get3A_177 = tpu.vector_load %arg6[%get3A_176] {strides = array<i32>} : memref<16384xi32, #tpu.memory_space<vmem>>, vector<16xi32>,
      %gather3A_178 = tpu.vector_load_idx %arg5[%get3A_177] : memref<100096xf32, #tpu.memory_space<vmem>>[vector<16xi32>], vector<16xf32>,
      %add3A_179 = arith.constant 32 : i32
      %add3A_180 = arith.addi %mul3A_152, %add3A_179 : i32
      %swap3A_181 = arith.index_cast %add3A_180 : i32 to index
      %swap3A_182 = tpu.vector_load %arg8[%swap3A_181] {strides = array<i32>} : memref<4096xf32, #tpu.memory_space<vmem>>, vector<16xf32>,
      tpu.vector_store %arg8[%swap3A_181], %gather3A_178 {strides = array<i32>} : memref<4096xf32, #tpu.memory_space<vmem>>, vector<16xf32>,
      %add3A_183 = arith.constant 4096 : i32
      %add3A_184 = arith.addi %add3A_183, %mul3A_152 : i32
      %add3A_185 = arith.constant 48 : i32
      %add3A_186 = arith.addi %add3A_184, %add3A_185 : i32
      %get3A_187 = arith.index_cast %add3A_186 : i32 to index
      %get3A_188 = tpu.vector_load %arg6[%get3A_187] {strides = array<i32>} : memref<16384xi32, #tpu.memory_space<vmem>>, vector<16xi32>,
      %gather3A_189 = tpu.vector_load_idx %arg5[%get3A_188] : memref<100096xf32, #tpu.memory_space<vmem>>[vector<16xi32>], vector<16xf32>,
      %add3A_190 = arith.constant 48 : i32
      %add3A_191 = arith.addi %mul3A_152, %add3A_190 : i32
      %swap3A_192 = arith.index_cast %add3A_191 : i32 to index
      %swap3A_193 = tpu.vector_load %arg8[%swap3A_192] {strides = array<i32>} : memref<4096xf32, #tpu.memory_space<vmem>>, vector<16xf32>,
      tpu.vector_store %arg8[%swap3A_192], %gather3A_189 {strides = array<i32>} : memref<4096xf32, #tpu.memory_space<vmem>>, vector<16xf32>,
      %add3A_194 = arith.constant 4096 : i32
      %add3A_195 = arith.addi %add3A_194, %mul3A_152 : i32
      %add3A_196 = arith.constant 64 : i32
      %add3A_197 = arith.addi %add3A_195, %add3A_196 : i32
      %get3A_198 = arith.index_cast %add3A_197 : i32 to index
      %get3A_199 = tpu.vector_load %arg6[%get3A_198] {strides = array<i32>} : memref<16384xi32, #tpu.memory_space<vmem>>, vector<16xi32>,
      %gather3A_200 = tpu.vector_load_idx %arg5[%get3A_199] : memref<100096xf32, #tpu.memory_space<vmem>>[vector<16xi32>], vector<16xf32>,
      %add3A_201 = arith.constant 64 : i32
      %add3A_202 = arith.addi %mul3A_152, %add3A_201 : i32
      %swap3A_203 = arith.index_cast %add3A_202 : i32 to index
      %swap3A_204 = tpu.vector_load %arg8[%swap3A_203] {strides = array<i32>} : memref<4096xf32, #tpu.memory_space<vmem>>, vector<16xf32>,
      tpu.vector_store %arg8[%swap3A_203], %gather3A_200 {strides = array<i32>} : memref<4096xf32, #tpu.memory_space<vmem>>, vector<16xf32>,
      %add3A_205 = arith.constant 4096 : i32
      %add3A_206 = arith.addi %add3A_205, %mul3A_152 : i32
      %add3A_207 = arith.constant 80 : i32
      %add3A_208 = arith.addi %add3A_206, %add3A_207 : i32
      %get3A_209 = arith.index_cast %add3A_208 : i32 to index
      %get3A_210 = tpu.vector_load %arg6[%get3A_209] {strides = array<i32>} : memref<16384xi32, #tpu.memory_space<vmem>>, vector<16xi32>,
      %gather3A_211 = tpu.vector_load_idx %arg5[%get3A_210] : memref<100096xf32, #tpu.memory_space<vmem>>[vector<16xi32>], vector<16xf32>,
      %add3A_212 = arith.constant 80 : i32
      %add3A_213 = arith.addi %mul3A_152, %add3A_212 : i32
      %swap3A_214 = arith.index_cast %add3A_213 : i32 to index
      %swap3A_215 = tpu.vector_load %arg8[%swap3A_214] {strides = array<i32>} : memref<4096xf32, #tpu.memory_space<vmem>>, vector<16xf32>,
      tpu.vector_store %arg8[%swap3A_214], %gather3A_211 {strides = array<i32>} : memref<4096xf32, #tpu.memory_space<vmem>>, vector<16xf32>,
      %add3A_216 = arith.constant 4096 : i32
      %add3A_217 = arith.addi %add3A_216, %mul3A_152 : i32
      %add3A_218 = arith.constant 96 : i32
      %add3A_219 = arith.addi %add3A_217, %add3A_218 : i32
      %get3A_220 = arith.index_cast %add3A_219 : i32 to index
      %get3A_221 = tpu.vector_load %arg6[%get3A_220] {strides = array<i32>} : memref<16384xi32, #tpu.memory_space<vmem>>, vector<16xi32>,
      %gather3A_222 = tpu.vector_load_idx %arg5[%get3A_221] : memref<100096xf32, #tpu.memory_space<vmem>>[vector<16xi32>], vector<16xf32>,
      %add3A_223 = arith.constant 96 : i32
      %add3A_224 = arith.addi %mul3A_152, %add3A_223 : i32
      %swap3A_225 = arith.index_cast %add3A_224 : i32 to index
      %swap3A_226 = tpu.vector_load %arg8[%swap3A_225] {strides = array<i32>} : memref<4096xf32, #tpu.memory_space<vmem>>, vector<16xf32>,
      tpu.vector_store %arg8[%swap3A_225], %gather3A_222 {strides = array<i32>} : memref<4096xf32, #tpu.memory_space<vmem>>, vector<16xf32>,
      %add3A_227 = arith.constant 4096 : i32
      %add3A_228 = arith.addi %add3A_227, %mul3A_152 : i32
      %add3A_229 = arith.constant 112 : i32
      %add3A_230 = arith.addi %add3A_228, %add3A_229 : i32
      %get3A_231 = arith.index_cast %add3A_230 : i32 to index
      %get3A_232 = tpu.vector_load %arg6[%get3A_231] {strides = array<i32>} : memref<16384xi32, #tpu.memory_space<vmem>>, vector<16xi32>,
      %gather3A_233 = tpu.vector_load_idx %arg5[%get3A_232] : memref<100096xf32, #tpu.memory_space<vmem>>[vector<16xi32>], vector<16xf32>,
      %add3A_234 = arith.constant 112 : i32
      %add3A_235 = arith.addi %mul3A_152, %add3A_234 : i32
      %swap3A_236 = arith.index_cast %add3A_235 : i32 to index
      %swap3A_237 = tpu.vector_load %arg8[%swap3A_236] {strides = array<i32>} : memref<4096xf32, #tpu.memory_space<vmem>>, vector<16xf32>,
      tpu.vector_store %arg8[%swap3A_236], %gather3A_233 {strides = array<i32>} : memref<4096xf32, #tpu.memory_space<vmem>>, vector<16xf32>,
    }
    %scan3A_20 = arith.constant 32 : i32
    %dma_start3A_21 = arith.constant 4096 : i32
    %dma_start3A_22 = tpu.memref_slice %arg4[%add3A_4, %dma_start3A_21] : memref<64x16384xf32, #tpu.memory_space<hbm>> -> memref<1x4096xf32, #tpu.memory_space<hbm>>
    %dma_start3A_23 = tpu.memref_squeeze %dma_start3A_22 : memref<1x4096xf32, #tpu.memory_space<hbm>> -> memref<4096xf32, #tpu.memory_space<hbm>>
    %dma_start3A_24 = arith.constant 4096 : i32
    %dma_start3A_25 = tpu.memref_slice %arg4[%add3A_4, %dma_start3A_24] : memref<64x16384xf32, #tpu.memory_space<hbm>> -> memref<1x4096xf32, #tpu.memory_space<hbm>>
    %dma_start3A_26 = tpu.memref_squeeze %dma_start3A_25 : memref<1x4096xf32, #tpu.memory_space<hbm>> -> memref<4096xf32, #tpu.memory_space<hbm>>
    tpu.enqueue_dma source(%arg8 : memref<4096xf32, #tpu.memory_space<vmem>>) target(%dma_start3A_26 : memref<4096xf32, #tpu.memory_space<hbm>>) target_semaphore(%arg10 : memref<!tpu.dma_semaphore, #tpu.memory_space<semaphore_mem>>)
    %dma_wait3A = arith.constant 0 : i32
    %dma_wait3A_27 = tpu.memref_slice %arg4[%add3A_4, %dma_wait3A] : memref<64x16384xf32, #tpu.memory_space<hbm>> -> memref<1x4096xf32, #tpu.memory_space<hbm>>
    %dma_wait3A_28 = tpu.memref_squeeze %dma_wait3A_27 : memref<1x4096xf32, #tpu.memory_space<hbm>> -> memref<4096xf32, #tpu.memory_space<hbm>>
    %dma_wait3A_29 = arith.constant 0 : i32
    %dma_wait3A_30 = tpu.memref_slice %arg4[%add3A_4, %dma_wait3A_29] : memref<64x16384xf32, #tpu.memory_space<hbm>> -> memref<1x4096xf32, #tpu.memory_space<hbm>>
    %dma_wait3A_31 = tpu.memref_squeeze %dma_wait3A_30 : memref<1x4096xf32, #tpu.memory_space<hbm>> -> memref<4096xf32, #tpu.memory_space<hbm>>
    tpu.wait_dma2 semaphore(%arg10 : memref<!tpu.dma_semaphore, #tpu.memory_space<semaphore_mem>>) src(%arg7 : memref<4096xf32, #tpu.memory_space<vmem>>) dst(%dma_wait3A_31 : memref<4096xf32, #tpu.memory_space<hbm>>)
    %scan3A_32 = arith.constant 0 : i32
    %scan3A_33 = arith.constant 0 : i32
    %scan3A_34 = arith.constant 32 : i32
    %scan3A_35 = arith.addi %scan3A_33, %scan3A_34 : i32
    %scan3A_36 = arith.constant 1 : i32
    scf.for %scan3A_150 = %scan3A_33 to %scan3A_35 step %scan3A_36  : i32 {
      %mul3A_151 = arith.constant 128 : i32
      %mul3A_152 = arith.muli %scan3A_150, %mul3A_151 : i32
      %add3A_153 = arith.constant 8192 : i32
      %add3A_154 = arith.addi %add3A_153, %mul3A_152 : i32
      %add3A_155 = arith.constant 0 : i32
      %add3A_156 = arith.addi %add3A_154, %add3A_155 : i32
      %get3A = arith.index_cast %add3A_156 : i32 to index
      %get3A_157 = tpu.vector_load %arg6[%get3A] {strides = array<i32>} : memref<16384xi32, #tpu.memory_space<vmem>>, vector<16xi32>,
      %gather3A = tpu.vector_load_idx %arg5[%get3A_157] : memref<100096xf32, #tpu.memory_space<vmem>>[vector<16xi32>], vector<16xf32>,
      %add3A_158 = arith.constant 0 : i32
      %add3A_159 = arith.addi %mul3A_152, %add3A_158 : i32
      %swap3A = arith.index_cast %add3A_159 : i32 to index
      %swap3A_160 = tpu.vector_load %arg7[%swap3A] {strides = array<i32>} : memref<4096xf32, #tpu.memory_space<vmem>>, vector<16xf32>,
      tpu.vector_store %arg7[%swap3A], %gather3A {strides = array<i32>} : memref<4096xf32, #tpu.memory_space<vmem>>, vector<16xf32>,
      %add3A_161 = arith.constant 8192 : i32
      %add3A_162 = arith.addi %add3A_161, %mul3A_152 : i32
      %add3A_163 = arith.constant 16 : i32
      %add3A_164 = arith.addi %add3A_162, %add3A_163 : i32
      %get3A_165 = arith.index_cast %add3A_164 : i32 to index
      %get3A_166 = tpu.vector_load %arg6[%get3A_165] {strides = array<i32>} : memref<16384xi32, #tpu.memory_space<vmem>>, vector<16xi32>,
      %gather3A_167 = tpu.vector_load_idx %arg5[%get3A_166] : memref<100096xf32, #tpu.memory_space<vmem>>[vector<16xi32>], vector<16xf32>,
      %add3A_168 = arith.constant 16 : i32
      %add3A_169 = arith.addi %mul3A_152, %add3A_168 : i32
      %swap3A_170 = arith.index_cast %add3A_169 : i32 to index
      %swap3A_171 = tpu.vector_load %arg7[%swap3A_170] {strides = array<i32>} : memref<4096xf32, #tpu.memory_space<vmem>>, vector<16xf32>,
      tpu.vector_store %arg7[%swap3A_170], %gather3A_167 {strides = array<i32>} : memref<4096xf32, #tpu.memory_space<vmem>>, vector<16xf32>,
      %add3A_172 = arith.constant 8192 : i32
      %add3A_173 = arith.addi %add3A_172, %mul3A_152 : i32
      %add3A_174 = arith.constant 32 : i32
      %add3A_175 = arith.addi %add3A_173, %add3A_174 : i32
      %get3A_176 = arith.index_cast %add3A_175 : i32 to index
      %get3A_177 = tpu.vector_load %arg6[%get3A_176] {strides = array<i32>} : memref<16384xi32, #tpu.memory_space<vmem>>, vector<16xi32>,
      %gather3A_178 = tpu.vector_load_idx %arg5[%get3A_177] : memref<100096xf32, #tpu.memory_space<vmem>>[vector<16xi32>], vector<16xf32>,
      %add3A_179 = arith.constant 32 : i32
      %add3A_180 = arith.addi %mul3A_152, %add3A_179 : i32
      %swap3A_181 = arith.index_cast %add3A_180 : i32 to index
      %swap3A_182 = tpu.vector_load %arg7[%swap3A_181] {strides = array<i32>} : memref<4096xf32, #tpu.memory_space<vmem>>, vector<16xf32>,
      tpu.vector_store %arg7[%swap3A_181], %gather3A_178 {strides = array<i32>} : memref<4096xf32, #tpu.memory_space<vmem>>, vector<16xf32>,
      %add3A_183 = arith.constant 8192 : i32
      %add3A_184 = arith.addi %add3A_183, %mul3A_152 : i32
      %add3A_185 = arith.constant 48 : i32
      %add3A_186 = arith.addi %add3A_184, %add3A_185 : i32
      %get3A_187 = arith.index_cast %add3A_186 : i32 to index
      %get3A_188 = tpu.vector_load %arg6[%get3A_187] {strides = array<i32>} : memref<16384xi32, #tpu.memory_space<vmem>>, vector<16xi32>,
      %gather3A_189 = tpu.vector_load_idx %arg5[%get3A_188] : memref<100096xf32, #tpu.memory_space<vmem>>[vector<16xi32>], vector<16xf32>,
      %add3A_190 = arith.constant 48 : i32
      %add3A_191 = arith.addi %mul3A_152, %add3A_190 : i32
      %swap3A_192 = arith.index_cast %add3A_191 : i32 to index
      %swap3A_193 = tpu.vector_load %arg7[%swap3A_192] {strides = array<i32>} : memref<4096xf32, #tpu.memory_space<vmem>>, vector<16xf32>,
      tpu.vector_store %arg7[%swap3A_192], %gather3A_189 {strides = array<i32>} : memref<4096xf32, #tpu.memory_space<vmem>>, vector<16xf32>,
      %add3A_194 = arith.constant 8192 : i32
      %add3A_195 = arith.addi %add3A_194, %mul3A_152 : i32
      %add3A_196 = arith.constant 64 : i32
      %add3A_197 = arith.addi %add3A_195, %add3A_196 : i32
      %get3A_198 = arith.index_cast %add3A_197 : i32 to index
      %get3A_199 = tpu.vector_load %arg6[%get3A_198] {strides = array<i32>} : memref<16384xi32, #tpu.memory_space<vmem>>, vector<16xi32>,
      %gather3A_200 = tpu.vector_load_idx %arg5[%get3A_199] : memref<100096xf32, #tpu.memory_space<vmem>>[vector<16xi32>], vector<16xf32>,
      %add3A_201 = arith.constant 64 : i32
      %add3A_202 = arith.addi %mul3A_152, %add3A_201 : i32
      %swap3A_203 = arith.index_cast %add3A_202 : i32 to index
      %swap3A_204 = tpu.vector_load %arg7[%swap3A_203] {strides = array<i32>} : memref<4096xf32, #tpu.memory_space<vmem>>, vector<16xf32>,
      tpu.vector_store %arg7[%swap3A_203], %gather3A_200 {strides = array<i32>} : memref<4096xf32, #tpu.memory_space<vmem>>, vector<16xf32>,
      %add3A_205 = arith.constant 8192 : i32
      %add3A_206 = arith.addi %add3A_205, %mul3A_152 : i32
      %add3A_207 = arith.constant 80 : i32
      %add3A_208 = arith.addi %add3A_206, %add3A_207 : i32
      %get3A_209 = arith.index_cast %add3A_208 : i32 to index
      %get3A_210 = tpu.vector_load %arg6[%get3A_209] {strides = array<i32>} : memref<16384xi32, #tpu.memory_space<vmem>>, vector<16xi32>,
      %gather3A_211 = tpu.vector_load_idx %arg5[%get3A_210] : memref<100096xf32, #tpu.memory_space<vmem>>[vector<16xi32>], vector<16xf32>,
      %add3A_212 = arith.constant 80 : i32
      %add3A_213 = arith.addi %mul3A_152, %add3A_212 : i32
      %swap3A_214 = arith.index_cast %add3A_213 : i32 to index
      %swap3A_215 = tpu.vector_load %arg7[%swap3A_214] {strides = array<i32>} : memref<4096xf32, #tpu.memory_space<vmem>>, vector<16xf32>,
      tpu.vector_store %arg7[%swap3A_214], %gather3A_211 {strides = array<i32>} : memref<4096xf32, #tpu.memory_space<vmem>>, vector<16xf32>,
      %add3A_216 = arith.constant 8192 : i32
      %add3A_217 = arith.addi %add3A_216, %mul3A_152 : i32
      %add3A_218 = arith.constant 96 : i32
      %add3A_219 = arith.addi %add3A_217, %add3A_218 : i32
      %get3A_220 = arith.index_cast %add3A_219 : i32 to index
      %get3A_221 = tpu.vector_load %arg6[%get3A_220] {strides = array<i32>} : memref<16384xi32, #tpu.memory_space<vmem>>, vector<16xi32>,
      %gather3A_222 = tpu.vector_load_idx %arg5[%get3A_221] : memref<100096xf32, #tpu.memory_space<vmem>>[vector<16xi32>], vector<16xf32>,
      %add3A_223 = arith.constant 96 : i32
      %add3A_224 = arith.addi %mul3A_152, %add3A_223 : i32
      %swap3A_225 = arith.index_cast %add3A_224 : i32 to index
      %swap3A_226 = tpu.vector_load %arg7[%swap3A_225] {strides = array<i32>} : memref<4096xf32, #tpu.memory_space<vmem>>, vector<16xf32>,
      tpu.vector_store %arg7[%swap3A_225], %gather3A_222 {strides = array<i32>} : memref<4096xf32, #tpu.memory_space<vmem>>, vector<16xf32>,
      %add3A_227 = arith.constant 8192 : i32
      %add3A_228 = arith.addi %add3A_227, %mul3A_152 : i32
      %add3A_229 = arith.constant 112 : i32
      %add3A_230 = arith.addi %add3A_228, %add3A_229 : i32
      %get3A_231 = arith.index_cast %add3A_230 : i32 to index
      %get3A_232 = tpu.vector_load %arg6[%get3A_231] {strides = array<i32>} : memref<16384xi32, #tpu.memory_space<vmem>>, vector<16xi32>,
      %gather3A_233 = tpu.vector_load_idx %arg5[%get3A_232] : memref<100096xf32, #tpu.memory_space<vmem>>[vector<16xi32>], vector<16xf32>,
      %add3A_234 = arith.constant 112 : i32
      %add3A_235 = arith.addi %mul3A_152, %add3A_234 : i32
      %swap3A_236 = arith.index_cast %add3A_235 : i32 to index
      %swap3A_237 = tpu.vector_load %arg7[%swap3A_236] {strides = array<i32>} : memref<4096xf32, #tpu.memory_space<vmem>>, vector<16xf32>,
      tpu.vector_store %arg7[%swap3A_236], %gather3A_233 {strides = array<i32>} : memref<4096xf32, #tpu.memory_space<vmem>>, vector<16xf32>,
    }
    %scan3A_37 = arith.constant 32 : i32
    %dma_start3A_38 = arith.constant 8192 : i32
    %dma_start3A_39 = tpu.memref_slice %arg4[%add3A_4, %dma_start3A_38] : memref<64x16384xf32, #tpu.memory_space<hbm>> -> memref<1x4096xf32, #tpu.memory_space<hbm>>
    %dma_start3A_40 = tpu.memref_squeeze %dma_start3A_39 : memref<1x4096xf32, #tpu.memory_space<hbm>> -> memref<4096xf32, #tpu.memory_space<hbm>>
    %dma_start3A_41 = arith.constant 8192 : i32
    %dma_start3A_42 = tpu.memref_slice %arg4[%add3A_4, %dma_start3A_41] : memref<64x16384xf32, #tpu.memory_space<hbm>> -> memref<1x4096xf32, #tpu.memory_space<hbm>>
    %dma_start3A_43 = tpu.memref_squeeze %dma_start3A_42 : memref<1x4096xf32, #tpu.memory_space<hbm>> -> memref<4096xf32, #tpu.memory_space<hbm>>
    tpu.enqueue_dma source(%arg7 : memref<4096xf32, #tpu.memory_space<vmem>>) target(%dma_start3A_43 : memref<4096xf32, #tpu.memory_space<hbm>>) target_semaphore(%arg10 : memref<!tpu.dma_semaphore, #tpu.memory_space<semaphore_mem>>)
    %dma_wait3A_44 = arith.constant 4096 : i32
    %dma_wait3A_45 = tpu.memref_slice %arg4[%add3A_4, %dma_wait3A_44] : memref<64x16384xf32, #tpu.memory_space<hbm>> -> memref<1x4096xf32, #tpu.memory_space<hbm>>
    %dma_wait3A_46 = tpu.memref_squeeze %dma_wait3A_45 : memref<1x4096xf32, #tpu.memory_space<hbm>> -> memref<4096xf32, #tpu.memory_space<hbm>>
    %dma_wait3A_47 = arith.constant 4096 : i32
    %dma_wait3A_48 = tpu.memref_slice %arg4[%add3A_4, %dma_wait3A_47] : memref<64x16384xf32, #tpu.memory_space<hbm>> -> memref<1x4096xf32, #tpu.memory_space<hbm>>
    %dma_wait3A_49 = tpu.memref_squeeze %dma_wait3A_48 : memref<1x4096xf32, #tpu.memory_space<hbm>> -> memref<4096xf32, #tpu.memory_space<hbm>>
    tpu.wait_dma2 semaphore(%arg10 : memref<!tpu.dma_semaphore, #tpu.memory_space<semaphore_mem>>) src(%arg8 : memref<4096xf32, #tpu.memory_space<vmem>>) dst(%dma_wait3A_49 : memref<4096xf32, #tpu.memory_space<hbm>>)
    %scan3A_50 = arith.constant 0 : i32
    %scan3A_51 = arith.constant 0 : i32
    %scan3A_52 = arith.constant 32 : i32
    %scan3A_53 = arith.addi %scan3A_51, %scan3A_52 : i32
    %scan3A_54 = arith.constant 1 : i32
    scf.for %scan3A_150 = %scan3A_51 to %scan3A_53 step %scan3A_54  : i32 {
      %mul3A_151 = arith.constant 128 : i32
      %mul3A_152 = arith.muli %scan3A_150, %mul3A_151 : i32
      %add3A_153 = arith.constant 12288 : i32
      %add3A_154 = arith.addi %add3A_153, %mul3A_152 : i32
      %add3A_155 = arith.constant 0 : i32
      %add3A_156 = arith.addi %add3A_154, %add3A_155 : i32
      %get3A = arith.index_cast %add3A_156 : i32 to index
      %get3A_157 = tpu.vector_load %arg6[%get3A] {strides = array<i32>} : memref<16384xi32, #tpu.memory_space<vmem>>, vector<16xi32>,
      %gather3A = tpu.vector_load_idx %arg5[%get3A_157] : memref<100096xf32, #tpu.memory_space<vmem>>[vector<16xi32>], vector<16xf32>,
      %add3A_158 = arith.constant 0 : i32
      %add3A_159 = arith.addi %mul3A_152, %add3A_158 : i32
      %swap3A = arith.index_cast %add3A_159 : i32 to index
      %swap3A_160 = tpu.vector_load %arg8[%swap3A] {strides = array<i32>} : memref<4096xf32, #tpu.memory_space<vmem>>, vector<16xf32>,
      tpu.vector_store %arg8[%swap3A], %gather3A {strides = array<i32>} : memref<4096xf32, #tpu.memory_space<vmem>>, vector<16xf32>,
      %add3A_161 = arith.constant 12288 : i32
      %add3A_162 = arith.addi %add3A_161, %mul3A_152 : i32
      %add3A_163 = arith.constant 16 : i32
      %add3A_164 = arith.addi %add3A_162, %add3A_163 : i32
      %get3A_165 = arith.index_cast %add3A_164 : i32 to index
      %get3A_166 = tpu.vector_load %arg6[%get3A_165] {strides = array<i32>} : memref<16384xi32, #tpu.memory_space<vmem>>, vector<16xi32>,
      %gather3A_167 = tpu.vector_load_idx %arg5[%get3A_166] : memref<100096xf32, #tpu.memory_space<vmem>>[vector<16xi32>], vector<16xf32>,
      %add3A_168 = arith.constant 16 : i32
      %add3A_169 = arith.addi %mul3A_152, %add3A_168 : i32
      %swap3A_170 = arith.index_cast %add3A_169 : i32 to index
      %swap3A_171 = tpu.vector_load %arg8[%swap3A_170] {strides = array<i32>} : memref<4096xf32, #tpu.memory_space<vmem>>, vector<16xf32>,
      tpu.vector_store %arg8[%swap3A_170], %gather3A_167 {strides = array<i32>} : memref<4096xf32, #tpu.memory_space<vmem>>, vector<16xf32>,
      %add3A_172 = arith.constant 12288 : i32
      %add3A_173 = arith.addi %add3A_172, %mul3A_152 : i32
      %add3A_174 = arith.constant 32 : i32
      %add3A_175 = arith.addi %add3A_173, %add3A_174 : i32
      %get3A_176 = arith.index_cast %add3A_175 : i32 to index
      %get3A_177 = tpu.vector_load %arg6[%get3A_176] {strides = array<i32>} : memref<16384xi32, #tpu.memory_space<vmem>>, vector<16xi32>,
      %gather3A_178 = tpu.vector_load_idx %arg5[%get3A_177] : memref<100096xf32, #tpu.memory_space<vmem>>[vector<16xi32>], vector<16xf32>,
      %add3A_179 = arith.constant 32 : i32
      %add3A_180 = arith.addi %mul3A_152, %add3A_179 : i32
      %swap3A_181 = arith.index_cast %add3A_180 : i32 to index
      %swap3A_182 = tpu.vector_load %arg8[%swap3A_181] {strides = array<i32>} : memref<4096xf32, #tpu.memory_space<vmem>>, vector<16xf32>,
      tpu.vector_store %arg8[%swap3A_181], %gather3A_178 {strides = array<i32>} : memref<4096xf32, #tpu.memory_space<vmem>>, vector<16xf32>,
      %add3A_183 = arith.constant 12288 : i32
      %add3A_184 = arith.addi %add3A_183, %mul3A_152 : i32
      %add3A_185 = arith.constant 48 : i32
      %add3A_186 = arith.addi %add3A_184, %add3A_185 : i32
      %get3A_187 = arith.index_cast %add3A_186 : i32 to index
      %get3A_188 = tpu.vector_load %arg6[%get3A_187] {strides = array<i32>} : memref<16384xi32, #tpu.memory_space<vmem>>, vector<16xi32>,
      %gather3A_189 = tpu.vector_load_idx %arg5[%get3A_188] : memref<100096xf32, #tpu.memory_space<vmem>>[vector<16xi32>], vector<16xf32>,
      %add3A_190 = arith.constant 48 : i32
      %add3A_191 = arith.addi %mul3A_152, %add3A_190 : i32
      %swap3A_192 = arith.index_cast %add3A_191 : i32 to index
      %swap3A_193 = tpu.vector_load %arg8[%swap3A_192] {strides = array<i32>} : memref<4096xf32, #tpu.memory_space<vmem>>, vector<16xf32>,
      tpu.vector_store %arg8[%swap3A_192], %gather3A_189 {strides = array<i32>} : memref<4096xf32, #tpu.memory_space<vmem>>, vector<16xf32>,
      %add3A_194 = arith.constant 12288 : i32
      %add3A_195 = arith.addi %add3A_194, %mul3A_152 : i32
      %add3A_196 = arith.constant 64 : i32
      %add3A_197 = arith.addi %add3A_195, %add3A_196 : i32
      %get3A_198 = arith.index_cast %add3A_197 : i32 to index
      %get3A_199 = tpu.vector_load %arg6[%get3A_198] {strides = array<i32>} : memref<16384xi32, #tpu.memory_space<vmem>>, vector<16xi32>,
      %gather3A_200 = tpu.vector_load_idx %arg5[%get3A_199] : memref<100096xf32, #tpu.memory_space<vmem>>[vector<16xi32>], vector<16xf32>,
      %add3A_201 = arith.constant 64 : i32
      %add3A_202 = arith.addi %mul3A_152, %add3A_201 : i32
      %swap3A_203 = arith.index_cast %add3A_202 : i32 to index
      %swap3A_204 = tpu.vector_load %arg8[%swap3A_203] {strides = array<i32>} : memref<4096xf32, #tpu.memory_space<vmem>>, vector<16xf32>,
      tpu.vector_store %arg8[%swap3A_203], %gather3A_200 {strides = array<i32>} : memref<4096xf32, #tpu.memory_space<vmem>>, vector<16xf32>,
      %add3A_205 = arith.constant 12288 : i32
      %add3A_206 = arith.addi %add3A_205, %mul3A_152 : i32
      %add3A_207 = arith.constant 80 : i32
      %add3A_208 = arith.addi %add3A_206, %add3A_207 : i32
      %get3A_209 = arith.index_cast %add3A_208 : i32 to index
      %get3A_210 = tpu.vector_load %arg6[%get3A_209] {strides = array<i32>} : memref<16384xi32, #tpu.memory_space<vmem>>, vector<16xi32>,
      %gather3A_211 = tpu.vector_load_idx %arg5[%get3A_210] : memref<100096xf32, #tpu.memory_space<vmem>>[vector<16xi32>], vector<16xf32>,
      %add3A_212 = arith.constant 80 : i32
      %add3A_213 = arith.addi %mul3A_152, %add3A_212 : i32
      %swap3A_214 = arith.index_cast %add3A_213 : i32 to index
      %swap3A_215 = tpu.vector_load %arg8[%swap3A_214] {strides = array<i32>} : memref<4096xf32, #tpu.memory_space<vmem>>, vector<16xf32>,
      tpu.vector_store %arg8[%swap3A_214], %gather3A_211 {strides = array<i32>} : memref<4096xf32, #tpu.memory_space<vmem>>, vector<16xf32>,
      %add3A_216 = arith.constant 12288 : i32
      %add3A_217 = arith.addi %add3A_216, %mul3A_152 : i32
      %add3A_218 = arith.constant 96 : i32
      %add3A_219 = arith.addi %add3A_217, %add3A_218 : i32
      %get3A_220 = arith.index_cast %add3A_219 : i32 to index
      %get3A_221 = tpu.vector_load %arg6[%get3A_220] {strides = array<i32>} : memref<16384xi32, #tpu.memory_space<vmem>>, vector<16xi32>,
      %gather3A_222 = tpu.vector_load_idx %arg5[%get3A_221] : memref<100096xf32, #tpu.memory_space<vmem>>[vector<16xi32>], vector<16xf32>,
      %add3A_223 = arith.constant 96 : i32
      %add3A_224 = arith.addi %mul3A_152, %add3A_223 : i32
      %swap3A_225 = arith.index_cast %add3A_224 : i32 to index
      %swap3A_226 = tpu.vector_load %arg8[%swap3A_225] {strides = array<i32>} : memref<4096xf32, #tpu.memory_space<vmem>>, vector<16xf32>,
      tpu.vector_store %arg8[%swap3A_225], %gather3A_222 {strides = array<i32>} : memref<4096xf32, #tpu.memory_space<vmem>>, vector<16xf32>,
      %add3A_227 = arith.constant 12288 : i32
      %add3A_228 = arith.addi %add3A_227, %mul3A_152 : i32
      %add3A_229 = arith.constant 112 : i32
      %add3A_230 = arith.addi %add3A_228, %add3A_229 : i32
      %get3A_231 = arith.index_cast %add3A_230 : i32 to index
      %get3A_232 = tpu.vector_load %arg6[%get3A_231] {strides = array<i32>} : memref<16384xi32, #tpu.memory_space<vmem>>, vector<16xi32>,
      %gather3A_233 = tpu.vector_load_idx %arg5[%get3A_232] : memref<100096xf32, #tpu.memory_space<vmem>>[vector<16xi32>], vector<16xf32>,
      %add3A_234 = arith.constant 112 : i32
      %add3A_235 = arith.addi %mul3A_152, %add3A_234 : i32
      %swap3A_236 = arith.index_cast %add3A_235 : i32 to index
      %swap3A_237 = tpu.vector_load %arg8[%swap3A_236] {strides = array<i32>} : memref<4096xf32, #tpu.memory_space<vmem>>, vector<16xf32>,
      tpu.vector_store %arg8[%swap3A_236], %gather3A_233 {strides = array<i32>} : memref<4096xf32, #tpu.memory_space<vmem>>, vector<16xf32>,
    }
    %scan3A_55 = arith.constant 32 : i32
    %dma_start3A_56 = arith.constant 12288 : i32
    %dma_start3A_57 = tpu.memref_slice %arg4[%add3A_4, %dma_start3A_56] : memref<64x16384xf32, #tpu.memory_space<hbm>> -> memref<1x4096xf32, #tpu.memory_space<hbm>>
    %dma_start3A_58 = tpu.memref_squeeze %dma_start3A_57 : memref<1x4096xf32, #tpu.memory_space<hbm>> -> memref<4096xf32, #tpu.memory_space<hbm>>
    %dma_start3A_59 = arith.constant 12288 : i32
    %dma_start3A_60 = tpu.memref_slice %arg4[%add3A_4, %dma_start3A_59] : memref<64x16384xf32, #tpu.memory_space<hbm>> -> memref<1x4096xf32, #tpu.memory_space<hbm>>
    %dma_start3A_61 = tpu.memref_squeeze %dma_start3A_60 : memref<1x4096xf32, #tpu.memory_space<hbm>> -> memref<4096xf32, #tpu.memory_space<hbm>>
    tpu.enqueue_dma source(%arg8 : memref<4096xf32, #tpu.memory_space<vmem>>) target(%dma_start3A_61 : memref<4096xf32, #tpu.memory_space<hbm>>) target_semaphore(%arg10 : memref<!tpu.dma_semaphore, #tpu.memory_space<semaphore_mem>>)
    %dma_wait3A_62 = arith.constant 8192 : i32
    %dma_wait3A_63 = tpu.memref_slice %arg4[%add3A_4, %dma_wait3A_62] : memref<64x16384xf32, #tpu.memory_space<hbm>> -> memref<1x4096xf32, #tpu.memory_space<hbm>>
    %dma_wait3A_64 = tpu.memref_squeeze %dma_wait3A_63 : memref<1x4096xf32, #tpu.memory_space<hbm>> -> memref<4096xf32, #tpu.memory_space<hbm>>
    %dma_wait3A_65 = arith.constant 8192 : i32
    %dma_wait3A_66 = tpu.memref_slice %arg4[%add3A_4, %dma_wait3A_65] : memref<64x16384xf32, #tpu.memory_space<hbm>> -> memref<1x4096xf32, #tpu.memory_space<hbm>>
    %dma_wait3A_67 = tpu.memref_squeeze %dma_wait3A_66 : memref<1x4096xf32, #tpu.memory_space<hbm>> -> memref<4096xf32, #tpu.memory_space<hbm>>
    tpu.wait_dma2 semaphore(%arg10 : memref<!tpu.dma_semaphore, #tpu.memory_space<semaphore_mem>>) src(%arg7 : memref<4096xf32, #tpu.memory_space<vmem>>) dst(%dma_wait3A_67 : memref<4096xf32, #tpu.memory_space<hbm>>)
    %dma_wait3A_68 = arith.constant 12288 : i32
    %dma_wait3A_69 = tpu.memref_slice %arg4[%add3A_4, %dma_wait3A_68] : memref<64x16384xf32, #tpu.memory_space<hbm>> -> memref<1x4096xf32, #tpu.memory_space<hbm>>
    %dma_wait3A_70 = tpu.memref_squeeze %dma_wait3A_69 : memref<1x4096xf32, #tpu.memory_space<hbm>> -> memref<4096xf32, #tpu.memory_space<hbm>>
    %dma_wait3A_71 = arith.constant 12288 : i32
    %dma_wait3A_72 = tpu.memref_slice %arg4[%add3A_4, %dma_wait3A_71] : memref<64x16384xf32, #tpu.memory_space<hbm>> -> memref<1x4096xf32, #tpu.memory_space<hbm>>
    %dma_wait3A_73 = tpu.memref_squeeze %dma_wait3A_72 : memref<1x4096xf32, #tpu.memory_space<hbm>> -> memref<4096xf32, #tpu.memory_space<hbm>>
    tpu.wait_dma2 semaphore(%arg10 : memref<!tpu.dma_semaphore, #tpu.memory_space<semaphore_mem>>) src(%arg8 : memref<4096xf32, #tpu.memory_space<vmem>>) dst(%dma_wait3A_73 : memref<4096xf32, #tpu.memory_space<hbm>>)
    %mul3A_74 = arith.constant 2 : i32
    %mul3A_75 = arith.muli %add3A, %mul3A_74 : i32
    %add3A_76 = arith.constant 1 : i32
    %add3A_77 = arith.addi %mul3A_75, %add3A_76 : i32
    "tpu.region"() ({
      %run_scoped3A = tpu.sem_alloc : memref<!tpu.dma_semaphore, #tpu.memory_space<semaphore_mem>>
      %dma_start3A_150 = arith.constant 0 : i32
      %dma_start3A_151 = tpu.memref_slice %arg2[%add3A_77, %dma_start3A_150] : memref<64x100096xf32, #tpu.memory_space<hbm>> -> memref<1x100096xf32, #tpu.memory_space<hbm>>
      %dma_start3A_152 = tpu.memref_squeeze %dma_start3A_151 : memref<1x100096xf32, #tpu.memory_space<hbm>> -> memref<100096xf32, #tpu.memory_space<hbm>>
      %dma_start3A_153 = arith.constant 0 : i32
      %dma_start3A_154 = tpu.memref_slice %arg2[%add3A_77, %dma_start3A_153] : memref<64x100096xf32, #tpu.memory_space<hbm>> -> memref<1x100096xf32, #tpu.memory_space<hbm>>
      %dma_start3A_155 = tpu.memref_squeeze %dma_start3A_154 : memref<1x100096xf32, #tpu.memory_space<hbm>> -> memref<100096xf32, #tpu.memory_space<hbm>>
      tpu.enqueue_dma source(%dma_start3A_155 : memref<100096xf32, #tpu.memory_space<hbm>>) target(%arg5 : memref<100096xf32, #tpu.memory_space<vmem>>) target_semaphore(%run_scoped3A : memref<!tpu.dma_semaphore, #tpu.memory_space<semaphore_mem>>)
      %dma_wait3A_156 = arith.constant 0 : i32
      %dma_wait3A_157 = tpu.memref_slice %arg2[%add3A_77, %dma_wait3A_156] : memref<64x100096xf32, #tpu.memory_space<hbm>> -> memref<1x100096xf32, #tpu.memory_space<hbm>>
      %dma_wait3A_158 = tpu.memref_squeeze %dma_wait3A_157 : memref<1x100096xf32, #tpu.memory_space<hbm>> -> memref<100096xf32, #tpu.memory_space<hbm>>
      %dma_wait3A_159 = arith.constant 0 : i32
      %dma_wait3A_160 = tpu.memref_slice %arg2[%add3A_77, %dma_wait3A_159] : memref<64x100096xf32, #tpu.memory_space<hbm>> -> memref<1x100096xf32, #tpu.memory_space<hbm>>
      %dma_wait3A_161 = tpu.memref_squeeze %dma_wait3A_160 : memref<1x100096xf32, #tpu.memory_space<hbm>> -> memref<100096xf32, #tpu.memory_space<hbm>>
      tpu.wait_dma2 semaphore(%run_scoped3A : memref<!tpu.dma_semaphore, #tpu.memory_space<semaphore_mem>>) src(%dma_wait3A_161 : memref<100096xf32, #tpu.memory_space<hbm>>) dst(%arg5 : memref<100096xf32, #tpu.memory_space<vmem>>)
      tpu.yield
    }) : () -> ()
    %scan3A_78 = arith.constant 0 : i32
    %scan3A_79 = arith.constant 0 : i32
    %scan3A_80 = arith.constant 32 : i32
    %scan3A_81 = arith.addi %scan3A_79, %scan3A_80 : i32
    %scan3A_82 = arith.constant 1 : i32
    scf.for %scan3A_150 = %scan3A_79 to %scan3A_81 step %scan3A_82  : i32 {
      %mul3A_151 = arith.constant 128 : i32
      %mul3A_152 = arith.muli %scan3A_150, %mul3A_151 : i32
      %add3A_153 = arith.constant 0 : i32
      %add3A_154 = arith.addi %add3A_153, %mul3A_152 : i32
      %add3A_155 = arith.constant 0 : i32
      %add3A_156 = arith.addi %add3A_154, %add3A_155 : i32
      %get3A = arith.index_cast %add3A_156 : i32 to index
      %get3A_157 = tpu.vector_load %arg6[%get3A] {strides = array<i32>} : memref<16384xi32, #tpu.memory_space<vmem>>, vector<16xi32>,
      %gather3A = tpu.vector_load_idx %arg5[%get3A_157] : memref<100096xf32, #tpu.memory_space<vmem>>[vector<16xi32>], vector<16xf32>,
      %add3A_158 = arith.constant 0 : i32
      %add3A_159 = arith.addi %mul3A_152, %add3A_158 : i32
      %swap3A = arith.index_cast %add3A_159 : i32 to index
      %swap3A_160 = tpu.vector_load %arg7[%swap3A] {strides = array<i32>} : memref<4096xf32, #tpu.memory_space<vmem>>, vector<16xf32>,
      tpu.vector_store %arg7[%swap3A], %gather3A {strides = array<i32>} : memref<4096xf32, #tpu.memory_space<vmem>>, vector<16xf32>,
      %add3A_161 = arith.constant 0 : i32
      %add3A_162 = arith.addi %add3A_161, %mul3A_152 : i32
      %add3A_163 = arith.constant 16 : i32
      %add3A_164 = arith.addi %add3A_162, %add3A_163 : i32
      %get3A_165 = arith.index_cast %add3A_164 : i32 to index
      %get3A_166 = tpu.vector_load %arg6[%get3A_165] {strides = array<i32>} : memref<16384xi32, #tpu.memory_space<vmem>>, vector<16xi32>,
      %gather3A_167 = tpu.vector_load_idx %arg5[%get3A_166] : memref<100096xf32, #tpu.memory_space<vmem>>[vector<16xi32>], vector<16xf32>,
      %add3A_168 = arith.constant 16 : i32
      %add3A_169 = arith.addi %mul3A_152, %add3A_168 : i32
      %swap3A_170 = arith.index_cast %add3A_169 : i32 to index
      %swap3A_171 = tpu.vector_load %arg7[%swap3A_170] {strides = array<i32>} : memref<4096xf32, #tpu.memory_space<vmem>>, vector<16xf32>,
      tpu.vector_store %arg7[%swap3A_170], %gather3A_167 {strides = array<i32>} : memref<4096xf32, #tpu.memory_space<vmem>>, vector<16xf32>,
      %add3A_172 = arith.constant 0 : i32
      %add3A_173 = arith.addi %add3A_172, %mul3A_152 : i32
      %add3A_174 = arith.constant 32 : i32
      %add3A_175 = arith.addi %add3A_173, %add3A_174 : i32
      %get3A_176 = arith.index_cast %add3A_175 : i32 to index
      %get3A_177 = tpu.vector_load %arg6[%get3A_176] {strides = array<i32>} : memref<16384xi32, #tpu.memory_space<vmem>>, vector<16xi32>,
      %gather3A_178 = tpu.vector_load_idx %arg5[%get3A_177] : memref<100096xf32, #tpu.memory_space<vmem>>[vector<16xi32>], vector<16xf32>,
      %add3A_179 = arith.constant 32 : i32
      %add3A_180 = arith.addi %mul3A_152, %add3A_179 : i32
      %swap3A_181 = arith.index_cast %add3A_180 : i32 to index
      %swap3A_182 = tpu.vector_load %arg7[%swap3A_181] {strides = array<i32>} : memref<4096xf32, #tpu.memory_space<vmem>>, vector<16xf32>,
      tpu.vector_store %arg7[%swap3A_181], %gather3A_178 {strides = array<i32>} : memref<4096xf32, #tpu.memory_space<vmem>>, vector<16xf32>,
      %add3A_183 = arith.constant 0 : i32
      %add3A_184 = arith.addi %add3A_183, %mul3A_152 : i32
      %add3A_185 = arith.constant 48 : i32
      %add3A_186 = arith.addi %add3A_184, %add3A_185 : i32
      %get3A_187 = arith.index_cast %add3A_186 : i32 to index
      %get3A_188 = tpu.vector_load %arg6[%get3A_187] {strides = array<i32>} : memref<16384xi32, #tpu.memory_space<vmem>>, vector<16xi32>,
      %gather3A_189 = tpu.vector_load_idx %arg5[%get3A_188] : memref<100096xf32, #tpu.memory_space<vmem>>[vector<16xi32>], vector<16xf32>,
      %add3A_190 = arith.constant 48 : i32
      %add3A_191 = arith.addi %mul3A_152, %add3A_190 : i32
      %swap3A_192 = arith.index_cast %add3A_191 : i32 to index
      %swap3A_193 = tpu.vector_load %arg7[%swap3A_192] {strides = array<i32>} : memref<4096xf32, #tpu.memory_space<vmem>>, vector<16xf32>,
      tpu.vector_store %arg7[%swap3A_192], %gather3A_189 {strides = array<i32>} : memref<4096xf32, #tpu.memory_space<vmem>>, vector<16xf32>,
      %add3A_194 = arith.constant 0 : i32
      %add3A_195 = arith.addi %add3A_194, %mul3A_152 : i32
      %add3A_196 = arith.constant 64 : i32
      %add3A_197 = arith.addi %add3A_195, %add3A_196 : i32
      %get3A_198 = arith.index_cast %add3A_197 : i32 to index
      %get3A_199 = tpu.vector_load %arg6[%get3A_198] {strides = array<i32>} : memref<16384xi32, #tpu.memory_space<vmem>>, vector<16xi32>,
      %gather3A_200 = tpu.vector_load_idx %arg5[%get3A_199] : memref<100096xf32, #tpu.memory_space<vmem>>[vector<16xi32>], vector<16xf32>,
      %add3A_201 = arith.constant 64 : i32
      %add3A_202 = arith.addi %mul3A_152, %add3A_201 : i32
      %swap3A_203 = arith.index_cast %add3A_202 : i32 to index
      %swap3A_204 = tpu.vector_load %arg7[%swap3A_203] {strides = array<i32>} : memref<4096xf32, #tpu.memory_space<vmem>>, vector<16xf32>,
      tpu.vector_store %arg7[%swap3A_203], %gather3A_200 {strides = array<i32>} : memref<4096xf32, #tpu.memory_space<vmem>>, vector<16xf32>,
      %add3A_205 = arith.constant 0 : i32
      %add3A_206 = arith.addi %add3A_205, %mul3A_152 : i32
      %add3A_207 = arith.constant 80 : i32
      %add3A_208 = arith.addi %add3A_206, %add3A_207 : i32
      %get3A_209 = arith.index_cast %add3A_208 : i32 to index
      %get3A_210 = tpu.vector_load %arg6[%get3A_209] {strides = array<i32>} : memref<16384xi32, #tpu.memory_space<vmem>>, vector<16xi32>,
      %gather3A_211 = tpu.vector_load_idx %arg5[%get3A_210] : memref<100096xf32, #tpu.memory_space<vmem>>[vector<16xi32>], vector<16xf32>,
      %add3A_212 = arith.constant 80 : i32
      %add3A_213 = arith.addi %mul3A_152, %add3A_212 : i32
      %swap3A_214 = arith.index_cast %add3A_213 : i32 to index
      %swap3A_215 = tpu.vector_load %arg7[%swap3A_214] {strides = array<i32>} : memref<4096xf32, #tpu.memory_space<vmem>>, vector<16xf32>,
      tpu.vector_store %arg7[%swap3A_214], %gather3A_211 {strides = array<i32>} : memref<4096xf32, #tpu.memory_space<vmem>>, vector<16xf32>,
      %add3A_216 = arith.constant 0 : i32
      %add3A_217 = arith.addi %add3A_216, %mul3A_152 : i32
      %add3A_218 = arith.constant 96 : i32
      %add3A_219 = arith.addi %add3A_217, %add3A_218 : i32
      %get3A_220 = arith.index_cast %add3A_219 : i32 to index
      %get3A_221 = tpu.vector_load %arg6[%get3A_220] {strides = array<i32>} : memref<16384xi32, #tpu.memory_space<vmem>>, vector<16xi32>,
      %gather3A_222 = tpu.vector_load_idx %arg5[%get3A_221] : memref<100096xf32, #tpu.memory_space<vmem>>[vector<16xi32>], vector<16xf32>,
      %add3A_223 = arith.constant 96 : i32
      %add3A_224 = arith.addi %mul3A_152, %add3A_223 : i32
      %swap3A_225 = arith.index_cast %add3A_224 : i32 to index
      %swap3A_226 = tpu.vector_load %arg7[%swap3A_225] {strides = array<i32>} : memref<4096xf32, #tpu.memory_space<vmem>>, vector<16xf32>,
      tpu.vector_store %arg7[%swap3A_225], %gather3A_222 {strides = array<i32>} : memref<4096xf32, #tpu.memory_space<vmem>>, vector<16xf32>,
      %add3A_227 = arith.constant 0 : i32
      %add3A_228 = arith.addi %add3A_227, %mul3A_152 : i32
      %add3A_229 = arith.constant 112 : i32
      %add3A_230 = arith.addi %add3A_228, %add3A_229 : i32
      %get3A_231 = arith.index_cast %add3A_230 : i32 to index
      %get3A_232 = tpu.vector_load %arg6[%get3A_231] {strides = array<i32>} : memref<16384xi32, #tpu.memory_space<vmem>>, vector<16xi32>,
      %gather3A_233 = tpu.vector_load_idx %arg5[%get3A_232] : memref<100096xf32, #tpu.memory_space<vmem>>[vector<16xi32>], vector<16xf32>,
      %add3A_234 = arith.constant 112 : i32
      %add3A_235 = arith.addi %mul3A_152, %add3A_234 : i32
      %swap3A_236 = arith.index_cast %add3A_235 : i32 to index
      %swap3A_237 = tpu.vector_load %arg7[%swap3A_236] {strides = array<i32>} : memref<4096xf32, #tpu.memory_space<vmem>>, vector<16xf32>,
      tpu.vector_store %arg7[%swap3A_236], %gather3A_233 {strides = array<i32>} : memref<4096xf32, #tpu.memory_space<vmem>>, vector<16xf32>,
    }
    %scan3A_83 = arith.constant 32 : i32
    %dma_start3A_84 = arith.constant 0 : i32
    %dma_start3A_85 = tpu.memref_slice %arg4[%add3A_77, %dma_start3A_84] : memref<64x16384xf32, #tpu.memory_space<hbm>> -> memref<1x4096xf32, #tpu.memory_space<hbm>>
    %dma_start3A_86 = tpu.memref_squeeze %dma_start3A_85 : memref<1x4096xf32, #tpu.memory_space<hbm>> -> memref<4096xf32, #tpu.memory_space<hbm>>
    %dma_start3A_87 = arith.constant 0 : i32
    %dma_start3A_88 = tpu.memref_slice %arg4[%add3A_77, %dma_start3A_87] : memref<64x16384xf32, #tpu.memory_space<hbm>> -> memref<1x4096xf32, #tpu.memory_space<hbm>>
    %dma_start3A_89 = tpu.memref_squeeze %dma_start3A_88 : memref<1x4096xf32, #tpu.memory_space<hbm>> -> memref<4096xf32, #tpu.memory_space<hbm>>
    tpu.enqueue_dma source(%arg7 : memref<4096xf32, #tpu.memory_space<vmem>>) target(%dma_start3A_89 : memref<4096xf32, #tpu.memory_space<hbm>>) target_semaphore(%arg10 : memref<!tpu.dma_semaphore, #tpu.memory_space<semaphore_mem>>)
    %scan3A_90 = arith.constant 0 : i32
    %scan3A_91 = arith.constant 0 : i32
    %scan3A_92 = arith.constant 32 : i32
    %scan3A_93 = arith.addi %scan3A_91, %scan3A_92 : i32
    %scan3A_94 = arith.constant 1 : i32
    scf.for %scan3A_150 = %scan3A_91 to %scan3A_93 step %scan3A_94  : i32 {
      %mul3A_151 = arith.constant 128 : i32
      %mul3A_152 = arith.muli %scan3A_150, %mul3A_151 : i32
      %add3A_153 = arith.constant 4096 : i32
      %add3A_154 = arith.addi %add3A_153, %mul3A_152 : i32
      %add3A_155 = arith.constant 0 : i32
      %add3A_156 = arith.addi %add3A_154, %add3A_155 : i32
      %get3A = arith.index_cast %add3A_156 : i32 to index
      %get3A_157 = tpu.vector_load %arg6[%get3A] {strides = array<i32>} : memref<16384xi32, #tpu.memory_space<vmem>>, vector<16xi32>,
      %gather3A = tpu.vector_load_idx %arg5[%get3A_157] : memref<100096xf32, #tpu.memory_space<vmem>>[vector<16xi32>], vector<16xf32>,
      %add3A_158 = arith.constant 0 : i32
      %add3A_159 = arith.addi %mul3A_152, %add3A_158 : i32
      %swap3A = arith.index_cast %add3A_159 : i32 to index
      %swap3A_160 = tpu.vector_load %arg8[%swap3A] {strides = array<i32>} : memref<4096xf32, #tpu.memory_space<vmem>>, vector<16xf32>,
      tpu.vector_store %arg8[%swap3A], %gather3A {strides = array<i32>} : memref<4096xf32, #tpu.memory_space<vmem>>, vector<16xf32>,
      %add3A_161 = arith.constant 4096 : i32
      %add3A_162 = arith.addi %add3A_161, %mul3A_152 : i32
      %add3A_163 = arith.constant 16 : i32
      %add3A_164 = arith.addi %add3A_162, %add3A_163 : i32
      %get3A_165 = arith.index_cast %add3A_164 : i32 to index
      %get3A_166 = tpu.vector_load %arg6[%get3A_165] {strides = array<i32>} : memref<16384xi32, #tpu.memory_space<vmem>>, vector<16xi32>,
      %gather3A_167 = tpu.vector_load_idx %arg5[%get3A_166] : memref<100096xf32, #tpu.memory_space<vmem>>[vector<16xi32>], vector<16xf32>,
      %add3A_168 = arith.constant 16 : i32
      %add3A_169 = arith.addi %mul3A_152, %add3A_168 : i32
      %swap3A_170 = arith.index_cast %add3A_169 : i32 to index
      %swap3A_171 = tpu.vector_load %arg8[%swap3A_170] {strides = array<i32>} : memref<4096xf32, #tpu.memory_space<vmem>>, vector<16xf32>,
      tpu.vector_store %arg8[%swap3A_170], %gather3A_167 {strides = array<i32>} : memref<4096xf32, #tpu.memory_space<vmem>>, vector<16xf32>,
      %add3A_172 = arith.constant 4096 : i32
      %add3A_173 = arith.addi %add3A_172, %mul3A_152 : i32
      %add3A_174 = arith.constant 32 : i32
      %add3A_175 = arith.addi %add3A_173, %add3A_174 : i32
      %get3A_176 = arith.index_cast %add3A_175 : i32 to index
      %get3A_177 = tpu.vector_load %arg6[%get3A_176] {strides = array<i32>} : memref<16384xi32, #tpu.memory_space<vmem>>, vector<16xi32>,
      %gather3A_178 = tpu.vector_load_idx %arg5[%get3A_177] : memref<100096xf32, #tpu.memory_space<vmem>>[vector<16xi32>], vector<16xf32>,
      %add3A_179 = arith.constant 32 : i32
      %add3A_180 = arith.addi %mul3A_152, %add3A_179 : i32
      %swap3A_181 = arith.index_cast %add3A_180 : i32 to index
      %swap3A_182 = tpu.vector_load %arg8[%swap3A_181] {strides = array<i32>} : memref<4096xf32, #tpu.memory_space<vmem>>, vector<16xf32>,
      tpu.vector_store %arg8[%swap3A_181], %gather3A_178 {strides = array<i32>} : memref<4096xf32, #tpu.memory_space<vmem>>, vector<16xf32>,
      %add3A_183 = arith.constant 4096 : i32
      %add3A_184 = arith.addi %add3A_183, %mul3A_152 : i32
      %add3A_185 = arith.constant 48 : i32
      %add3A_186 = arith.addi %add3A_184, %add3A_185 : i32
      %get3A_187 = arith.index_cast %add3A_186 : i32 to index
      %get3A_188 = tpu.vector_load %arg6[%get3A_187] {strides = array<i32>} : memref<16384xi32, #tpu.memory_space<vmem>>, vector<16xi32>,
      %gather3A_189 = tpu.vector_load_idx %arg5[%get3A_188] : memref<100096xf32, #tpu.memory_space<vmem>>[vector<16xi32>], vector<16xf32>,
      %add3A_190 = arith.constant 48 : i32
      %add3A_191 = arith.addi %mul3A_152, %add3A_190 : i32
      %swap3A_192 = arith.index_cast %add3A_191 : i32 to index
      %swap3A_193 = tpu.vector_load %arg8[%swap3A_192] {strides = array<i32>} : memref<4096xf32, #tpu.memory_space<vmem>>, vector<16xf32>,
      tpu.vector_store %arg8[%swap3A_192], %gather3A_189 {strides = array<i32>} : memref<4096xf32, #tpu.memory_space<vmem>>, vector<16xf32>,
      %add3A_194 = arith.constant 4096 : i32
      %add3A_195 = arith.addi %add3A_194, %mul3A_152 : i32
      %add3A_196 = arith.constant 64 : i32
      %add3A_197 = arith.addi %add3A_195, %add3A_196 : i32
      %get3A_198 = arith.index_cast %add3A_197 : i32 to index
      %get3A_199 = tpu.vector_load %arg6[%get3A_198] {strides = array<i32>} : memref<16384xi32, #tpu.memory_space<vmem>>, vector<16xi32>,
      %gather3A_200 = tpu.vector_load_idx %arg5[%get3A_199] : memref<100096xf32, #tpu.memory_space<vmem>>[vector<16xi32>], vector<16xf32>,
      %add3A_201 = arith.constant 64 : i32
      %add3A_202 = arith.addi %mul3A_152, %add3A_201 : i32
      %swap3A_203 = arith.index_cast %add3A_202 : i32 to index
      %swap3A_204 = tpu.vector_load %arg8[%swap3A_203] {strides = array<i32>} : memref<4096xf32, #tpu.memory_space<vmem>>, vector<16xf32>,
      tpu.vector_store %arg8[%swap3A_203], %gather3A_200 {strides = array<i32>} : memref<4096xf32, #tpu.memory_space<vmem>>, vector<16xf32>,
      %add3A_205 = arith.constant 4096 : i32
      %add3A_206 = arith.addi %add3A_205, %mul3A_152 : i32
      %add3A_207 = arith.constant 80 : i32
      %add3A_208 = arith.addi %add3A_206, %add3A_207 : i32
      %get3A_209 = arith.index_cast %add3A_208 : i32 to index
      %get3A_210 = tpu.vector_load %arg6[%get3A_209] {strides = array<i32>} : memref<16384xi32, #tpu.memory_space<vmem>>, vector<16xi32>,
      %gather3A_211 = tpu.vector_load_idx %arg5[%get3A_210] : memref<100096xf32, #tpu.memory_space<vmem>>[vector<16xi32>], vector<16xf32>,
      %add3A_212 = arith.constant 80 : i32
      %add3A_213 = arith.addi %mul3A_152, %add3A_212 : i32
      %swap3A_214 = arith.index_cast %add3A_213 : i32 to index
      %swap3A_215 = tpu.vector_load %arg8[%swap3A_214] {strides = array<i32>} : memref<4096xf32, #tpu.memory_space<vmem>>, vector<16xf32>,
      tpu.vector_store %arg8[%swap3A_214], %gather3A_211 {strides = array<i32>} : memref<4096xf32, #tpu.memory_space<vmem>>, vector<16xf32>,
      %add3A_216 = arith.constant 4096 : i32
      %add3A_217 = arith.addi %add3A_216, %mul3A_152 : i32
      %add3A_218 = arith.constant 96 : i32
      %add3A_219 = arith.addi %add3A_217, %add3A_218 : i32
      %get3A_220 = arith.index_cast %add3A_219 : i32 to index
      %get3A_221 = tpu.vector_load %arg6[%get3A_220] {strides = array<i32>} : memref<16384xi32, #tpu.memory_space<vmem>>, vector<16xi32>,
      %gather3A_222 = tpu.vector_load_idx %arg5[%get3A_221] : memref<100096xf32, #tpu.memory_space<vmem>>[vector<16xi32>], vector<16xf32>,
      %add3A_223 = arith.constant 96 : i32
      %add3A_224 = arith.addi %mul3A_152, %add3A_223 : i32
      %swap3A_225 = arith.index_cast %add3A_224 : i32 to index
      %swap3A_226 = tpu.vector_load %arg8[%swap3A_225] {strides = array<i32>} : memref<4096xf32, #tpu.memory_space<vmem>>, vector<16xf32>,
      tpu.vector_store %arg8[%swap3A_225], %gather3A_222 {strides = array<i32>} : memref<4096xf32, #tpu.memory_space<vmem>>, vector<16xf32>,
      %add3A_227 = arith.constant 4096 : i32
      %add3A_228 = arith.addi %add3A_227, %mul3A_152 : i32
      %add3A_229 = arith.constant 112 : i32
      %add3A_230 = arith.addi %add3A_228, %add3A_229 : i32
      %get3A_231 = arith.index_cast %add3A_230 : i32 to index
      %get3A_232 = tpu.vector_load %arg6[%get3A_231] {strides = array<i32>} : memref<16384xi32, #tpu.memory_space<vmem>>, vector<16xi32>,
      %gather3A_233 = tpu.vector_load_idx %arg5[%get3A_232] : memref<100096xf32, #tpu.memory_space<vmem>>[vector<16xi32>], vector<16xf32>,
      %add3A_234 = arith.constant 112 : i32
      %add3A_235 = arith.addi %mul3A_152, %add3A_234 : i32
      %swap3A_236 = arith.index_cast %add3A_235 : i32 to index
      %swap3A_237 = tpu.vector_load %arg8[%swap3A_236] {strides = array<i32>} : memref<4096xf32, #tpu.memory_space<vmem>>, vector<16xf32>,
      tpu.vector_store %arg8[%swap3A_236], %gather3A_233 {strides = array<i32>} : memref<4096xf32, #tpu.memory_space<vmem>>, vector<16xf32>,
    }
    %scan3A_95 = arith.constant 32 : i32
    %dma_start3A_96 = arith.constant 4096 : i32
    %dma_start3A_97 = tpu.memref_slice %arg4[%add3A_77, %dma_start3A_96] : memref<64x16384xf32, #tpu.memory_space<hbm>> -> memref<1x4096xf32, #tpu.memory_space<hbm>>
    %dma_start3A_98 = tpu.memref_squeeze %dma_start3A_97 : memref<1x4096xf32, #tpu.memory_space<hbm>> -> memref<4096xf32, #tpu.memory_space<hbm>>
    %dma_start3A_99 = arith.constant 4096 : i32
    %dma_start3A_100 = tpu.memref_slice %arg4[%add3A_77, %dma_start3A_99] : memref<64x16384xf32, #tpu.memory_space<hbm>> -> memref<1x4096xf32, #tpu.memory_space<hbm>>
    %dma_start3A_101 = tpu.memref_squeeze %dma_start3A_100 : memref<1x4096xf32, #tpu.memory_space<hbm>> -> memref<4096xf32, #tpu.memory_space<hbm>>
    tpu.enqueue_dma source(%arg8 : memref<4096xf32, #tpu.memory_space<vmem>>) target(%dma_start3A_101 : memref<4096xf32, #tpu.memory_space<hbm>>) target_semaphore(%arg10 : memref<!tpu.dma_semaphore, #tpu.memory_space<semaphore_mem>>)
    %dma_wait3A_102 = arith.constant 0 : i32
    %dma_wait3A_103 = tpu.memref_slice %arg4[%add3A_77, %dma_wait3A_102] : memref<64x16384xf32, #tpu.memory_space<hbm>> -> memref<1x4096xf32, #tpu.memory_space<hbm>>
    %dma_wait3A_104 = tpu.memref_squeeze %dma_wait3A_103 : memref<1x4096xf32, #tpu.memory_space<hbm>> -> memref<4096xf32, #tpu.memory_space<hbm>>
    %dma_wait3A_105 = arith.constant 0 : i32
    %dma_wait3A_106 = tpu.memref_slice %arg4[%add3A_77, %dma_wait3A_105] : memref<64x16384xf32, #tpu.memory_space<hbm>> -> memref<1x4096xf32, #tpu.memory_space<hbm>>
    %dma_wait3A_107 = tpu.memref_squeeze %dma_wait3A_106 : memref<1x4096xf32, #tpu.memory_space<hbm>> -> memref<4096xf32, #tpu.memory_space<hbm>>
    tpu.wait_dma2 semaphore(%arg10 : memref<!tpu.dma_semaphore, #tpu.memory_space<semaphore_mem>>) src(%arg7 : memref<4096xf32, #tpu.memory_space<vmem>>) dst(%dma_wait3A_107 : memref<4096xf32, #tpu.memory_space<hbm>>)
    %scan3A_108 = arith.constant 0 : i32
    %scan3A_109 = arith.constant 0 : i32
    %scan3A_110 = arith.constant 32 : i32
    %scan3A_111 = arith.addi %scan3A_109, %scan3A_110 : i32
    %scan3A_112 = arith.constant 1 : i32
    scf.for %scan3A_150 = %scan3A_109 to %scan3A_111 step %scan3A_112  : i32 {
      %mul3A_151 = arith.constant 128 : i32
      %mul3A_152 = arith.muli %scan3A_150, %mul3A_151 : i32
      %add3A_153 = arith.constant 8192 : i32
      %add3A_154 = arith.addi %add3A_153, %mul3A_152 : i32
      %add3A_155 = arith.constant 0 : i32
      %add3A_156 = arith.addi %add3A_154, %add3A_155 : i32
      %get3A = arith.index_cast %add3A_156 : i32 to index
      %get3A_157 = tpu.vector_load %arg6[%get3A] {strides = array<i32>} : memref<16384xi32, #tpu.memory_space<vmem>>, vector<16xi32>,
      %gather3A = tpu.vector_load_idx %arg5[%get3A_157] : memref<100096xf32, #tpu.memory_space<vmem>>[vector<16xi32>], vector<16xf32>,
      %add3A_158 = arith.constant 0 : i32
      %add3A_159 = arith.addi %mul3A_152, %add3A_158 : i32
      %swap3A = arith.index_cast %add3A_159 : i32 to index
      %swap3A_160 = tpu.vector_load %arg7[%swap3A] {strides = array<i32>} : memref<4096xf32, #tpu.memory_space<vmem>>, vector<16xf32>,
      tpu.vector_store %arg7[%swap3A], %gather3A {strides = array<i32>} : memref<4096xf32, #tpu.memory_space<vmem>>, vector<16xf32>,
      %add3A_161 = arith.constant 8192 : i32
      %add3A_162 = arith.addi %add3A_161, %mul3A_152 : i32
      %add3A_163 = arith.constant 16 : i32
      %add3A_164 = arith.addi %add3A_162, %add3A_163 : i32
      %get3A_165 = arith.index_cast %add3A_164 : i32 to index
      %get3A_166 = tpu.vector_load %arg6[%get3A_165] {strides = array<i32>} : memref<16384xi32, #tpu.memory_space<vmem>>, vector<16xi32>,
      %gather3A_167 = tpu.vector_load_idx %arg5[%get3A_166] : memref<100096xf32, #tpu.memory_space<vmem>>[vector<16xi32>], vector<16xf32>,
      %add3A_168 = arith.constant 16 : i32
      %add3A_169 = arith.addi %mul3A_152, %add3A_168 : i32
      %swap3A_170 = arith.index_cast %add3A_169 : i32 to index
      %swap3A_171 = tpu.vector_load %arg7[%swap3A_170] {strides = array<i32>} : memref<4096xf32, #tpu.memory_space<vmem>>, vector<16xf32>,
      tpu.vector_store %arg7[%swap3A_170], %gather3A_167 {strides = array<i32>} : memref<4096xf32, #tpu.memory_space<vmem>>, vector<16xf32>,
      %add3A_172 = arith.constant 8192 : i32
      %add3A_173 = arith.addi %add3A_172, %mul3A_152 : i32
      %add3A_174 = arith.constant 32 : i32
      %add3A_175 = arith.addi %add3A_173, %add3A_174 : i32
      %get3A_176 = arith.index_cast %add3A_175 : i32 to index
      %get3A_177 = tpu.vector_load %arg6[%get3A_176] {strides = array<i32>} : memref<16384xi32, #tpu.memory_space<vmem>>, vector<16xi32>,
      %gather3A_178 = tpu.vector_load_idx %arg5[%get3A_177] : memref<100096xf32, #tpu.memory_space<vmem>>[vector<16xi32>], vector<16xf32>,
      %add3A_179 = arith.constant 32 : i32
      %add3A_180 = arith.addi %mul3A_152, %add3A_179 : i32
      %swap3A_181 = arith.index_cast %add3A_180 : i32 to index
      %swap3A_182 = tpu.vector_load %arg7[%swap3A_181] {strides = array<i32>} : memref<4096xf32, #tpu.memory_space<vmem>>, vector<16xf32>,
      tpu.vector_store %arg7[%swap3A_181], %gather3A_178 {strides = array<i32>} : memref<4096xf32, #tpu.memory_space<vmem>>, vector<16xf32>,
      %add3A_183 = arith.constant 8192 : i32
      %add3A_184 = arith.addi %add3A_183, %mul3A_152 : i32
      %add3A_185 = arith.constant 48 : i32
      %add3A_186 = arith.addi %add3A_184, %add3A_185 : i32
      %get3A_187 = arith.index_cast %add3A_186 : i32 to index
      %get3A_188 = tpu.vector_load %arg6[%get3A_187] {strides = array<i32>} : memref<16384xi32, #tpu.memory_space<vmem>>, vector<16xi32>,
      %gather3A_189 = tpu.vector_load_idx %arg5[%get3A_188] : memref<100096xf32, #tpu.memory_space<vmem>>[vector<16xi32>], vector<16xf32>,
      %add3A_190 = arith.constant 48 : i32
      %add3A_191 = arith.addi %mul3A_152, %add3A_190 : i32
      %swap3A_192 = arith.index_cast %add3A_191 : i32 to index
      %swap3A_193 = tpu.vector_load %arg7[%swap3A_192] {strides = array<i32>} : memref<4096xf32, #tpu.memory_space<vmem>>, vector<16xf32>,
      tpu.vector_store %arg7[%swap3A_192], %gather3A_189 {strides = array<i32>} : memref<4096xf32, #tpu.memory_space<vmem>>, vector<16xf32>,
      %add3A_194 = arith.constant 8192 : i32
      %add3A_195 = arith.addi %add3A_194, %mul3A_152 : i32
      %add3A_196 = arith.constant 64 : i32
      %add3A_197 = arith.addi %add3A_195, %add3A_196 : i32
      %get3A_198 = arith.index_cast %add3A_197 : i32 to index
      %get3A_199 = tpu.vector_load %arg6[%get3A_198] {strides = array<i32>} : memref<16384xi32, #tpu.memory_space<vmem>>, vector<16xi32>,
      %gather3A_200 = tpu.vector_load_idx %arg5[%get3A_199] : memref<100096xf32, #tpu.memory_space<vmem>>[vector<16xi32>], vector<16xf32>,
      %add3A_201 = arith.constant 64 : i32
      %add3A_202 = arith.addi %mul3A_152, %add3A_201 : i32
      %swap3A_203 = arith.index_cast %add3A_202 : i32 to index
      %swap3A_204 = tpu.vector_load %arg7[%swap3A_203] {strides = array<i32>} : memref<4096xf32, #tpu.memory_space<vmem>>, vector<16xf32>,
      tpu.vector_store %arg7[%swap3A_203], %gather3A_200 {strides = array<i32>} : memref<4096xf32, #tpu.memory_space<vmem>>, vector<16xf32>,
      %add3A_205 = arith.constant 8192 : i32
      %add3A_206 = arith.addi %add3A_205, %mul3A_152 : i32
      %add3A_207 = arith.constant 80 : i32
      %add3A_208 = arith.addi %add3A_206, %add3A_207 : i32
      %get3A_209 = arith.index_cast %add3A_208 : i32 to index
      %get3A_210 = tpu.vector_load %arg6[%get3A_209] {strides = array<i32>} : memref<16384xi32, #tpu.memory_space<vmem>>, vector<16xi32>,
      %gather3A_211 = tpu.vector_load_idx %arg5[%get3A_210] : memref<100096xf32, #tpu.memory_space<vmem>>[vector<16xi32>], vector<16xf32>,
      %add3A_212 = arith.constant 80 : i32
      %add3A_213 = arith.addi %mul3A_152, %add3A_212 : i32
      %swap3A_214 = arith.index_cast %add3A_213 : i32 to index
      %swap3A_215 = tpu.vector_load %arg7[%swap3A_214] {strides = array<i32>} : memref<4096xf32, #tpu.memory_space<vmem>>, vector<16xf32>,
      tpu.vector_store %arg7[%swap3A_214], %gather3A_211 {strides = array<i32>} : memref<4096xf32, #tpu.memory_space<vmem>>, vector<16xf32>,
      %add3A_216 = arith.constant 8192 : i32
      %add3A_217 = arith.addi %add3A_216, %mul3A_152 : i32
      %add3A_218 = arith.constant 96 : i32
      %add3A_219 = arith.addi %add3A_217, %add3A_218 : i32
      %get3A_220 = arith.index_cast %add3A_219 : i32 to index
      %get3A_221 = tpu.vector_load %arg6[%get3A_220] {strides = array<i32>} : memref<16384xi32, #tpu.memory_space<vmem>>, vector<16xi32>,
      %gather3A_222 = tpu.vector_load_idx %arg5[%get3A_221] : memref<100096xf32, #tpu.memory_space<vmem>>[vector<16xi32>], vector<16xf32>,
      %add3A_223 = arith.constant 96 : i32
      %add3A_224 = arith.addi %mul3A_152, %add3A_223 : i32
      %swap3A_225 = arith.index_cast %add3A_224 : i32 to index
      %swap3A_226 = tpu.vector_load %arg7[%swap3A_225] {strides = array<i32>} : memref<4096xf32, #tpu.memory_space<vmem>>, vector<16xf32>,
      tpu.vector_store %arg7[%swap3A_225], %gather3A_222 {strides = array<i32>} : memref<4096xf32, #tpu.memory_space<vmem>>, vector<16xf32>,
      %add3A_227 = arith.constant 8192 : i32
      %add3A_228 = arith.addi %add3A_227, %mul3A_152 : i32
      %add3A_229 = arith.constant 112 : i32
      %add3A_230 = arith.addi %add3A_228, %add3A_229 : i32
      %get3A_231 = arith.index_cast %add3A_230 : i32 to index
      %get3A_232 = tpu.vector_load %arg6[%get3A_231] {strides = array<i32>} : memref<16384xi32, #tpu.memory_space<vmem>>, vector<16xi32>,
      %gather3A_233 = tpu.vector_load_idx %arg5[%get3A_232] : memref<100096xf32, #tpu.memory_space<vmem>>[vector<16xi32>], vector<16xf32>,
      %add3A_234 = arith.constant 112 : i32
      %add3A_235 = arith.addi %mul3A_152, %add3A_234 : i32
      %swap3A_236 = arith.index_cast %add3A_235 : i32 to index
      %swap3A_237 = tpu.vector_load %arg7[%swap3A_236] {strides = array<i32>} : memref<4096xf32, #tpu.memory_space<vmem>>, vector<16xf32>,
      tpu.vector_store %arg7[%swap3A_236], %gather3A_233 {strides = array<i32>} : memref<4096xf32, #tpu.memory_space<vmem>>, vector<16xf32>,
    }
    %scan3A_113 = arith.constant 32 : i32
    %dma_start3A_114 = arith.constant 8192 : i32
    %dma_start3A_115 = tpu.memref_slice %arg4[%add3A_77, %dma_start3A_114] : memref<64x16384xf32, #tpu.memory_space<hbm>> -> memref<1x4096xf32, #tpu.memory_space<hbm>>
    %dma_start3A_116 = tpu.memref_squeeze %dma_start3A_115 : memref<1x4096xf32, #tpu.memory_space<hbm>> -> memref<4096xf32, #tpu.memory_space<hbm>>
    %dma_start3A_117 = arith.constant 8192 : i32
    %dma_start3A_118 = tpu.memref_slice %arg4[%add3A_77, %dma_start3A_117] : memref<64x16384xf32, #tpu.memory_space<hbm>> -> memref<1x4096xf32, #tpu.memory_space<hbm>>
    %dma_start3A_119 = tpu.memref_squeeze %dma_start3A_118 : memref<1x4096xf32, #tpu.memory_space<hbm>> -> memref<4096xf32, #tpu.memory_space<hbm>>
    tpu.enqueue_dma source(%arg7 : memref<4096xf32, #tpu.memory_space<vmem>>) target(%dma_start3A_119 : memref<4096xf32, #tpu.memory_space<hbm>>) target_semaphore(%arg10 : memref<!tpu.dma_semaphore, #tpu.memory_space<semaphore_mem>>)
    %dma_wait3A_120 = arith.constant 4096 : i32
    %dma_wait3A_121 = tpu.memref_slice %arg4[%add3A_77, %dma_wait3A_120] : memref<64x16384xf32, #tpu.memory_space<hbm>> -> memref<1x4096xf32, #tpu.memory_space<hbm>>
    %dma_wait3A_122 = tpu.memref_squeeze %dma_wait3A_121 : memref<1x4096xf32, #tpu.memory_space<hbm>> -> memref<4096xf32, #tpu.memory_space<hbm>>
    %dma_wait3A_123 = arith.constant 4096 : i32
    %dma_wait3A_124 = tpu.memref_slice %arg4[%add3A_77, %dma_wait3A_123] : memref<64x16384xf32, #tpu.memory_space<hbm>> -> memref<1x4096xf32, #tpu.memory_space<hbm>>
    %dma_wait3A_125 = tpu.memref_squeeze %dma_wait3A_124 : memref<1x4096xf32, #tpu.memory_space<hbm>> -> memref<4096xf32, #tpu.memory_space<hbm>>
    tpu.wait_dma2 semaphore(%arg10 : memref<!tpu.dma_semaphore, #tpu.memory_space<semaphore_mem>>) src(%arg8 : memref<4096xf32, #tpu.memory_space<vmem>>) dst(%dma_wait3A_125 : memref<4096xf32, #tpu.memory_space<hbm>>)
    %scan3A_126 = arith.constant 0 : i32
    %scan3A_127 = arith.constant 0 : i32
    %scan3A_128 = arith.constant 32 : i32
    %scan3A_129 = arith.addi %scan3A_127, %scan3A_128 : i32
    %scan3A_130 = arith.constant 1 : i32
    scf.for %scan3A_150 = %scan3A_127 to %scan3A_129 step %scan3A_130  : i32 {
      %mul3A_151 = arith.constant 128 : i32
      %mul3A_152 = arith.muli %scan3A_150, %mul3A_151 : i32
      %add3A_153 = arith.constant 12288 : i32
      %add3A_154 = arith.addi %add3A_153, %mul3A_152 : i32
      %add3A_155 = arith.constant 0 : i32
      %add3A_156 = arith.addi %add3A_154, %add3A_155 : i32
      %get3A = arith.index_cast %add3A_156 : i32 to index
      %get3A_157 = tpu.vector_load %arg6[%get3A] {strides = array<i32>} : memref<16384xi32, #tpu.memory_space<vmem>>, vector<16xi32>,
      %gather3A = tpu.vector_load_idx %arg5[%get3A_157] : memref<100096xf32, #tpu.memory_space<vmem>>[vector<16xi32>], vector<16xf32>,
      %add3A_158 = arith.constant 0 : i32
      %add3A_159 = arith.addi %mul3A_152, %add3A_158 : i32
      %swap3A = arith.index_cast %add3A_159 : i32 to index
      %swap3A_160 = tpu.vector_load %arg8[%swap3A] {strides = array<i32>} : memref<4096xf32, #tpu.memory_space<vmem>>, vector<16xf32>,
      tpu.vector_store %arg8[%swap3A], %gather3A {strides = array<i32>} : memref<4096xf32, #tpu.memory_space<vmem>>, vector<16xf32>,
      %add3A_161 = arith.constant 12288 : i32
      %add3A_162 = arith.addi %add3A_161, %mul3A_152 : i32
      %add3A_163 = arith.constant 16 : i32
      %add3A_164 = arith.addi %add3A_162, %add3A_163 : i32
      %get3A_165 = arith.index_cast %add3A_164 : i32 to index
      %get3A_166 = tpu.vector_load %arg6[%get3A_165] {strides = array<i32>} : memref<16384xi32, #tpu.memory_space<vmem>>, vector<16xi32>,
      %gather3A_167 = tpu.vector_load_idx %arg5[%get3A_166] : memref<100096xf32, #tpu.memory_space<vmem>>[vector<16xi32>], vector<16xf32>,
      %add3A_168 = arith.constant 16 : i32
      %add3A_169 = arith.addi %mul3A_152, %add3A_168 : i32
      %swap3A_170 = arith.index_cast %add3A_169 : i32 to index
      %swap3A_171 = tpu.vector_load %arg8[%swap3A_170] {strides = array<i32>} : memref<4096xf32, #tpu.memory_space<vmem>>, vector<16xf32>,
      tpu.vector_store %arg8[%swap3A_170], %gather3A_167 {strides = array<i32>} : memref<4096xf32, #tpu.memory_space<vmem>>, vector<16xf32>,
      %add3A_172 = arith.constant 12288 : i32
      %add3A_173 = arith.addi %add3A_172, %mul3A_152 : i32
      %add3A_174 = arith.constant 32 : i32
      %add3A_175 = arith.addi %add3A_173, %add3A_174 : i32
      %get3A_176 = arith.index_cast %add3A_175 : i32 to index
      %get3A_177 = tpu.vector_load %arg6[%get3A_176] {strides = array<i32>} : memref<16384xi32, #tpu.memory_space<vmem>>, vector<16xi32>,
      %gather3A_178 = tpu.vector_load_idx %arg5[%get3A_177] : memref<100096xf32, #tpu.memory_space<vmem>>[vector<16xi32>], vector<16xf32>,
      %add3A_179 = arith.constant 32 : i32
      %add3A_180 = arith.addi %mul3A_152, %add3A_179 : i32
      %swap3A_181 = arith.index_cast %add3A_180 : i32 to index
      %swap3A_182 = tpu.vector_load %arg8[%swap3A_181] {strides = array<i32>} : memref<4096xf32, #tpu.memory_space<vmem>>, vector<16xf32>,
      tpu.vector_store %arg8[%swap3A_181], %gather3A_178 {strides = array<i32>} : memref<4096xf32, #tpu.memory_space<vmem>>, vector<16xf32>,
      %add3A_183 = arith.constant 12288 : i32
      %add3A_184 = arith.addi %add3A_183, %mul3A_152 : i32
      %add3A_185 = arith.constant 48 : i32
      %add3A_186 = arith.addi %add3A_184, %add3A_185 : i32
      %get3A_187 = arith.index_cast %add3A_186 : i32 to index
      %get3A_188 = tpu.vector_load %arg6[%get3A_187] {strides = array<i32>} : memref<16384xi32, #tpu.memory_space<vmem>>, vector<16xi32>,
      %gather3A_189 = tpu.vector_load_idx %arg5[%get3A_188] : memref<100096xf32, #tpu.memory_space<vmem>>[vector<16xi32>], vector<16xf32>,
      %add3A_190 = arith.constant 48 : i32
      %add3A_191 = arith.addi %mul3A_152, %add3A_190 : i32
      %swap3A_192 = arith.index_cast %add3A_191 : i32 to index
      %swap3A_193 = tpu.vector_load %arg8[%swap3A_192] {strides = array<i32>} : memref<4096xf32, #tpu.memory_space<vmem>>, vector<16xf32>,
      tpu.vector_store %arg8[%swap3A_192], %gather3A_189 {strides = array<i32>} : memref<4096xf32, #tpu.memory_space<vmem>>, vector<16xf32>,
      %add3A_194 = arith.constant 12288 : i32
      %add3A_195 = arith.addi %add3A_194, %mul3A_152 : i32
      %add3A_196 = arith.constant 64 : i32
      %add3A_197 = arith.addi %add3A_195, %add3A_196 : i32
      %get3A_198 = arith.index_cast %add3A_197 : i32 to index
      %get3A_199 = tpu.vector_load %arg6[%get3A_198] {strides = array<i32>} : memref<16384xi32, #tpu.memory_space<vmem>>, vector<16xi32>,
      %gather3A_200 = tpu.vector_load_idx %arg5[%get3A_199] : memref<100096xf32, #tpu.memory_space<vmem>>[vector<16xi32>], vector<16xf32>,
      %add3A_201 = arith.constant 64 : i32
      %add3A_202 = arith.addi %mul3A_152, %add3A_201 : i32
      %swap3A_203 = arith.index_cast %add3A_202 : i32 to index
      %swap3A_204 = tpu.vector_load %arg8[%swap3A_203] {strides = array<i32>} : memref<4096xf32, #tpu.memory_space<vmem>>, vector<16xf32>,
      tpu.vector_store %arg8[%swap3A_203], %gather3A_200 {strides = array<i32>} : memref<4096xf32, #tpu.memory_space<vmem>>, vector<16xf32>,
      %add3A_205 = arith.constant 12288 : i32
      %add3A_206 = arith.addi %add3A_205, %mul3A_152 : i32
      %add3A_207 = arith.constant 80 : i32
      %add3A_208 = arith.addi %add3A_206, %add3A_207 : i32
      %get3A_209 = arith.index_cast %add3A_208 : i32 to index
      %get3A_210 = tpu.vector_load %arg6[%get3A_209] {strides = array<i32>} : memref<16384xi32, #tpu.memory_space<vmem>>, vector<16xi32>,
      %gather3A_211 = tpu.vector_load_idx %arg5[%get3A_210] : memref<100096xf32, #tpu.memory_space<vmem>>[vector<16xi32>], vector<16xf32>,
      %add3A_212 = arith.constant 80 : i32
      %add3A_213 = arith.addi %mul3A_152, %add3A_212 : i32
      %swap3A_214 = arith.index_cast %add3A_213 : i32 to index
      %swap3A_215 = tpu.vector_load %arg8[%swap3A_214] {strides = array<i32>} : memref<4096xf32, #tpu.memory_space<vmem>>, vector<16xf32>,
      tpu.vector_store %arg8[%swap3A_214], %gather3A_211 {strides = array<i32>} : memref<4096xf32, #tpu.memory_space<vmem>>, vector<16xf32>,
      %add3A_216 = arith.constant 12288 : i32
      %add3A_217 = arith.addi %add3A_216, %mul3A_152 : i32
      %add3A_218 = arith.constant 96 : i32
      %add3A_219 = arith.addi %add3A_217, %add3A_218 : i32
      %get3A_220 = arith.index_cast %add3A_219 : i32 to index
      %get3A_221 = tpu.vector_load %arg6[%get3A_220] {strides = array<i32>} : memref<16384xi32, #tpu.memory_space<vmem>>, vector<16xi32>,
      %gather3A_222 = tpu.vector_load_idx %arg5[%get3A_221] : memref<100096xf32, #tpu.memory_space<vmem>>[vector<16xi32>], vector<16xf32>,
      %add3A_223 = arith.constant 96 : i32
      %add3A_224 = arith.addi %mul3A_152, %add3A_223 : i32
      %swap3A_225 = arith.index_cast %add3A_224 : i32 to index
      %swap3A_226 = tpu.vector_load %arg8[%swap3A_225] {strides = array<i32>} : memref<4096xf32, #tpu.memory_space<vmem>>, vector<16xf32>,
      tpu.vector_store %arg8[%swap3A_225], %gather3A_222 {strides = array<i32>} : memref<4096xf32, #tpu.memory_space<vmem>>, vector<16xf32>,
      %add3A_227 = arith.constant 12288 : i32
      %add3A_228 = arith.addi %add3A_227, %mul3A_152 : i32
      %add3A_229 = arith.constant 112 : i32
      %add3A_230 = arith.addi %add3A_228, %add3A_229 : i32
      %get3A_231 = arith.index_cast %add3A_230 : i32 to index
      %get3A_232 = tpu.vector_load %arg6[%get3A_231] {strides = array<i32>} : memref<16384xi32, #tpu.memory_space<vmem>>, vector<16xi32>,
      %gather3A_233 = tpu.vector_load_idx %arg5[%get3A_232] : memref<100096xf32, #tpu.memory_space<vmem>>[vector<16xi32>], vector<16xf32>,
      %add3A_234 = arith.constant 112 : i32
      %add3A_235 = arith.addi %mul3A_152, %add3A_234 : i32
      %swap3A_236 = arith.index_cast %add3A_235 : i32 to index
      %swap3A_237 = tpu.vector_load %arg8[%swap3A_236] {strides = array<i32>} : memref<4096xf32, #tpu.memory_space<vmem>>, vector<16xf32>,
      tpu.vector_store %arg8[%swap3A_236], %gather3A_233 {strides = array<i32>} : memref<4096xf32, #tpu.memory_space<vmem>>, vector<16xf32>,
    }
    %scan3A_131 = arith.constant 32 : i32
    %dma_start3A_132 = arith.constant 12288 : i32
    %dma_start3A_133 = tpu.memref_slice %arg4[%add3A_77, %dma_start3A_132] : memref<64x16384xf32, #tpu.memory_space<hbm>> -> memref<1x4096xf32, #tpu.memory_space<hbm>>
    %dma_start3A_134 = tpu.memref_squeeze %dma_start3A_133 : memref<1x4096xf32, #tpu.memory_space<hbm>> -> memref<4096xf32, #tpu.memory_space<hbm>>
    %dma_start3A_135 = arith.constant 12288 : i32
    %dma_start3A_136 = tpu.memref_slice %arg4[%add3A_77, %dma_start3A_135] : memref<64x16384xf32, #tpu.memory_space<hbm>> -> memref<1x4096xf32, #tpu.memory_space<hbm>>
    %dma_start3A_137 = tpu.memref_squeeze %dma_start3A_136 : memref<1x4096xf32, #tpu.memory_space<hbm>> -> memref<4096xf32, #tpu.memory_space<hbm>>
    tpu.enqueue_dma source(%arg8 : memref<4096xf32, #tpu.memory_space<vmem>>) target(%dma_start3A_137 : memref<4096xf32, #tpu.memory_space<hbm>>) target_semaphore(%arg10 : memref<!tpu.dma_semaphore, #tpu.memory_space<semaphore_mem>>)
    %dma_wait3A_138 = arith.constant 8192 : i32
    %dma_wait3A_139 = tpu.memref_slice %arg4[%add3A_77, %dma_wait3A_138] : memref<64x16384xf32, #tpu.memory_space<hbm>> -> memref<1x4096xf32, #tpu.memory_space<hbm>>
    %dma_wait3A_140 = tpu.memref_squeeze %dma_wait3A_139 : memref<1x4096xf32, #tpu.memory_space<hbm>> -> memref<4096xf32, #tpu.memory_space<hbm>>
    %dma_wait3A_141 = arith.constant 8192 : i32
    %dma_wait3A_142 = tpu.memref_slice %arg4[%add3A_77, %dma_wait3A_141] : memref<64x16384xf32, #tpu.memory_space<hbm>> -> memref<1x4096xf32, #tpu.memory_space<hbm>>
    %dma_wait3A_143 = tpu.memref_squeeze %dma_wait3A_142 : memref<1x4096xf32, #tpu.memory_space<hbm>> -> memref<4096xf32, #tpu.memory_space<hbm>>
    tpu.wait_dma2 semaphore(%arg10 : memref<!tpu.dma_semaphore, #tpu.memory_space<semaphore_mem>>) src(%arg7 : memref<4096xf32, #tpu.memory_space<vmem>>) dst(%dma_wait3A_143 : memref<4096xf32, #tpu.memory_space<hbm>>)
    %dma_wait3A_144 = arith.constant 12288 : i32
    %dma_wait3A_145 = tpu.memref_slice %arg4[%add3A_77, %dma_wait3A_144] : memref<64x16384xf32, #tpu.memory_space<hbm>> -> memref<1x4096xf32, #tpu.memory_space<hbm>>
    %dma_wait3A_146 = tpu.memref_squeeze %dma_wait3A_145 : memref<1x4096xf32, #tpu.memory_space<hbm>> -> memref<4096xf32, #tpu.memory_space<hbm>>
    %dma_wait3A_147 = arith.constant 12288 : i32
    %dma_wait3A_148 = tpu.memref_slice %arg4[%add3A_77, %dma_wait3A_147] : memref<64x16384xf32, #tpu.memory_space<hbm>> -> memref<1x4096xf32, #tpu.memory_space<hbm>>
    %dma_wait3A_149 = tpu.memref_squeeze %dma_wait3A_148 : memref<1x4096xf32, #tpu.memory_space<hbm>> -> memref<4096xf32, #tpu.memory_space<hbm>>
    tpu.wait_dma2 semaphore(%arg10 : memref<!tpu.dma_semaphore, #tpu.memory_space<semaphore_mem>>) src(%arg8 : memref<4096xf32, #tpu.memory_space<vmem>>) dst(%dma_wait3A_149 : memref<4096xf32, #tpu.memory_space<hbm>>)
    return
  }
}

</mosaic_0001>

<sc_bundles>
// kernel: kernel.3.cloned.1.call-start
scs
__scs_entry_jumppad:
0x0: {  	(pc) =	sbr.rel $0x88, $3  }
0x1: {  	(tag) =	ssettag $0x0;
	lr =	simm.s32 $0x1  }
0x2: {  	[smem:$0x3F9F] =	sst lr;
	_ =	strace $0xD0000000  }
0x3: {  	_ = 	snop  }
0x4: {  	_ = 	snop  }
0x5: {  	_ = 	snop  }
0x6: {  	_ = 	snop  }
0x7: {  	_ = 	snop  }
__scs_overlays_trampoline_lowered:
0x8: {  	[smem:$0x3FAE] =	sst s0  }
0x9: {  	[smem:$0x3FAF] =	sst s1  }
0xa: {  	[smem:$0x3FB0] =	sst s2  }
0xb: {  	[smem:$0x3FB1] =	sst s3  }
0xc: {  	[smem:$0x3FB2] =	sst s4  }
0xd: {  	[smem:$0x3FB3] =	sst s5  }
0xe: {  	[smem:$0x3FB4] =	sst s6  }
0xf: {  	[smem:$0x3FB5] =	sst s7  }
0x10: {  	[smem:$0x3FB6] =	sst s8  }
0x11: {  	[smem:$0x3FB7] =	sst s9;
	s0 =	simm.s32 @!p0 $0x0  }
0x12: {  	s1 =	sld [smem:$0x3F9D];
	s0 =	simm.s32 @p0 $0x1  }
0x13: {  	[smem:$0x3FB8] =	sst s0;
	s0 =	simm.s32 @!p1 $0x0  }
0x14: {  	s2 =	sld [smem:$0x3F9C];
	s0 =	simm.s32 @p1 $0x1  }
0x15: {  	[smem:$0x3FB9] =	sst s0;
	s0 =	simm.s32 @!p2 $0x0  }
0x16: {  	s3 =	sld [smem:$0x3FDB];
	s0 =	simm.s32 @p2 $0x1  }
0x17: {  	s4 =	simm.s32 $0x1BF5;
	[smem:$0x3FBB] =	sst s0  }
0x18: {  	s0 =	sld [smem:$0x3F9E];
	_ =	swait.ge [sflag:s4], $0x0  }
0x19: {  	s7 =	sld [smem:$0x3F9F]  }
0x1a: {  	s8 =	sadd.s32 $0xFFFFE003, lr  }
0x1b: {  	s9 =	sadd.s32 $0xFFFFFEF7, lr;
	s5 =	simm.s32 $0xFFFFFFFF;
	p2 =	slt.u32 s8, $0xFFFFF086  }
0x1c: {  	p1 =	slt.u32 s9, $0xF7A;
	s5 =	simm.s32 @!p2 $0x0  }
0x1d: {  	s5 =	simm.s32 @p1 $0x1;
	p0 =	seq.s32 s7, s2  }
0x1e: {  	s7 =	smul.u32 @!p0 $0xF7A, s2;
	p2 =	seq.s32 @!p0 s5, $0x0  }
0x1f: {  	s9 =	smul.u32 $0xF7A, s1;
	s8 =	simm.s32 @!p0 $0x1BF5;
	p2 =	por !p2, p0  }
0x20: {  	[sflag:s8] =	ssyncset.s32 @!p0 $0xFFFFF086;
	s6 =	sadd.s32 @!p0 s3, s7;
	s7 =	simm.s32 @!p0 $0x108  }
0x21: {  	s3 =	sadd.s32 s3, s9;
	s6 =	sadd.s32 @!p0 $0x88, s6;
	s7 =	simm.s32 @p2 $0x1082  }
0x22: {  	[simem:s7], [sflag:s8] =	dma.local @!p0 [hbm:s6], $0xF7A  }
0x23: {  	s9 =	sor.u32 $0xD0000000, s2;
	s6 =	simm.s32 $0x108;
	_ =	swait.ge @!p0 [sflag:s8], $0x0  }
0x24: {  	s3 =	sadd.s32 $0x88, s3;
	s6 =	simm.s32 @!p1 $0x1082;
	[sflag:s4] =	ssyncset.s32 $0xFFFFF086  }
0x25: {  	[simem:s6], [sflag:s4] =	dma.local [hbm:s3], $0xF7A  }
0x26: {  	[smem:$0x3F9F] =	sst s1;
	(tag) =	ssettag s2;
	_ =	strace s9  }
0x27: {  	s1 =	sld [smem:$0x3FAF]  }
0x28: {  	s2 =	sld [smem:$0x3FB0]  }
0x29: {  	s4 =	sld [smem:$0x3FB2]  }
0x2a: {  	p0 =	seq.s32 s5, $0x0;
	s5 =	sld [smem:$0x3FB3]  }
0x2b: {  	s6 =	sld [smem:$0x3FB4]  }
0x2c: {  	s7 =	sld [smem:$0x3FB5]  }
0x2d: {  	s3 =	simm.s32 $0x108;
	s8 =	sld [smem:$0x3FB6]  }
0x2e: {  	s3 =	simm.s32 @!p0 $0x1082;
	s9 =	sld [smem:$0x3FB7]  }
0x2f: {  	lr =	sadd.s32 s0, s3;
	s0 =	sld [smem:$0x3FAE]  }
0x30: {  	s3 =	sld [smem:$0x3FB1]  }
0x31: {  	[smem:$0x3FBA] =	sst s10  }
0x32: {  	s10 =	sld [smem:$0x3FB8];
	_ =	sdelay $0x3  }
0x33: {  	p0 =	seq.s32 s10, $0x1;
	s10 =	sld [smem:$0x3FBA];
	_ =	sdelay $0x3  }
0x34: {  	[smem:$0x3FBA] =	sst s10  }
0x35: {  	s10 =	sld [smem:$0x3FB9];
	_ =	sdelay $0x3  }
0x36: {  	p1 =	seq.s32 s10, $0x1;
	s10 =	sld [smem:$0x3FBA];
	_ =	sdelay $0x3  }
0x37: {  	[smem:$0x3FBA] =	sst s10  }
0x38: {  	s10 =	sld [smem:$0x3FBB]  }
0x39: {  	_ = 	snop;
	(pc) =	sbr.ind lr, $3  }
0x3a: {  	_ = 	snop  }
0x3b: {  	_ = 	snop  }
0x3c: {  	p2 =	seq.s32 s10, $0x1;
	s10 =	sld [smem:$0x3FBA]  }
0x3d: {  	_ =	shalt  }
0x3e: {  	_ =	shalt  }
0x3f: {  	_ =	shalt  }
0x40: {  	_ =	shalt  }
0x41: {  	_ =	shalt  }
0x42: {  	_ =	shalt  }
0x43: {  	_ =	shalt  }
0x44: {  	_ =	shalt  }
0x45: {  	_ =	shalt  }
0x46: {  	_ =	shalt  }
0x47: {  	_ =	shalt  }
0x48: {  	_ =	shalt  }
0x49: {  	_ =	shalt  }
0x4a: {  	_ =	shalt  }
0x4b: {  	_ =	shalt  }
0x4c: {  	_ =	shalt  }
0x4d: {  	_ =	shalt  }
0x4e: {  	_ =	shalt  }
0x4f: {  	_ =	shalt  }
0x50: {  	_ =	shalt  }
0x51: {  	_ =	shalt  }
0x52: {  	_ =	shalt  }
0x53: {  	_ =	shalt  }
0x54: {  	_ =	shalt  }
0x55: {  	_ =	shalt  }
0x56: {  	_ =	shalt  }
0x57: {  	_ =	shalt  }
0x58: {  	_ =	shalt  }
0x59: {  	_ =	shalt  }
0x5a: {  	_ =	shalt  }
0x5b: {  	_ =	shalt  }
0x5c: {  	_ =	shalt  }
0x5d: {  	_ =	shalt  }
0x5e: {  	_ =	shalt  }
0x5f: {  	_ =	shalt  }
0x60: {  	_ =	shalt  }
0x61: {  	_ =	shalt  }
0x62: {  	_ =	shalt  }
0x63: {  	_ =	shalt  }
0x64: {  	_ =	shalt  }
0x65: {  	_ =	shalt  }
0x66: {  	_ =	shalt  }
0x67: {  	_ =	shalt  }
0x68: {  	_ =	shalt  }
0x69: {  	_ =	shalt  }
0x6a: {  	_ =	shalt  }
0x6b: {  	_ =	shalt  }
0x6c: {  	_ =	shalt  }
0x6d: {  	_ =	shalt  }
0x6e: {  	_ =	shalt  }
0x6f: {  	_ =	shalt  }
0x70: {  	_ =	shalt  }
0x71: {  	_ =	shalt  }
0x72: {  	_ =	shalt  }
0x73: {  	_ =	shalt  }
0x74: {  	_ =	shalt  }
0x75: {  	_ =	shalt  }
0x76: {  	_ =	shalt  }
0x77: {  	_ =	shalt  }
0x78: {  	_ =	shalt  }
0x79: {  	_ =	shalt  }
0x7a: {  	_ =	shalt  }
0x7b: {  	_ =	shalt  }
0x7c: {  	_ =	shalt  }
0x7d: {  	_ =	shalt  }
0x7e: {  	_ =	shalt  }
0x7f: {  	_ =	shalt  }
0x80: {  	_ =	shalt  }
0x81: {  	_ =	shalt  }
0x82: {  	_ =	shalt  }
0x83: {  	_ =	shalt  }
0x84: {  	_ =	shalt  }
0x85: {  	_ =	shalt  }
0x86: {  	_ =	shalt  }
0x87: {  	_ =	shalt  }
.Lfunc_end0:
.L_simem_size_0:
called_computation_lowered:
.L_overlay_start_0:
0x88: {  	s2 =	sld [smem:$0x3FD9]  }
0x89: {  	s3 =	sld [smem:$0x3FFE];
	_ =	sdelay $0x1  }
0x8a: {  	s1 =	srdreg.scid  }
0x8b: {  	s0 =	sand.u32 $0x1, s1  }
0x8c: {  	s17 =	sshll.u32 s0, $0xA;
	s2 =	sadd.s32 s3, s2  }
0x8d: {  	s2 =	sadd.s32 s2, s17  }
0x8e: {  	[smem:$0x3FC6] =	sst s2  }
0x8f: {  	_ = 	snop  }
0x90: {  	s2 =	sld [smem:$0x3FC9]  }
0x91: {  	s18 =	sld [smem:$0x3FD0];
	(tm) =	ssettm $0x1  }
0x92: {  	s4 =	sld [smem:$0x3FFB];
	_ =	sdelay $0x3  }
0x93: {  	_ =	strace s4  }
0x94: {  	s4 =	sld [smem:$0x3FFC];
	_ =	sdelay $0x3  }
0x95: {  	_ =	strace s4  }
0x96: {  	s4 =	sld [smem:$0x3FFD];
	_ =	sdelay $0x3  }
0x97: {  	_ =	strace s4  }
0x98: {  	_ =	strace $0x8FFFFFFF  }
0x99: {  	s19 =	sld [smem:$0x3FDB];
	_ =	sdelay $0x1  }
0x9a: {  	s5 =	simm.s32 $_scs_section_size  }
0x9b: {  	s6 =	simm.s32 $_size__tile_overlayer_lowered;
	s7 =	simm.s32 $_tile_overlayer_lowered  }
0x9c: {  	s22 =	simm.s32 $0x1BFF;
	s21 =	sshll.u32 s7, $0x1;
	s4 =	sadd.s32 s5, s19  }
0x9d: {  	s8 =	simm.s32 $0x0;
	s20 =	sshll.u32 s6, $0x1;
	s6 =	sadd.s32 s21, s4  }
0x9e: {  	[timem:s8], [sflag:s22] =	dma.local [hbm:s6], s20  }
0x9f: {  	_ =	swait.ge [sflag:s22], s20  }
0xa0: {  	s5 =	ssub.s32 $0x0, s20;
	[sflag:s22] =	ssyncset.done $0x0  }
0xa1: {  	[sflag:s22] =	ssyncadd.s32 s5;
	_ =	sdelay $0x1  }
0xa2: {  	s23 =	simm.s32 $0x1B8B  }
0xa3: {  	_ =	swait.ge [sflag:s23], $0x1  }
0xa4: {  	[sflag:s23] =	ssyncset.done $0x0  }
0xa5: {  	s25 =	simm.s32 $0x1B8E;
	s24 =	sld [smem:$0x3FFE];
	[sflag:s23] =	ssyncadd.s32 $0xFFFFFFFF  }
0xa6: {  	s26 =	simm.s32 $execute0_lowered;
	[smem:$0x3FD2] =	sst s25  }
0xa7: {  	s6 =	sshll.u32 s26, $0x1;
	_ =	strace $0x80000046;
	[dreg:$0x1] =	wrdreg $0xFFFFFFFF  }
0xa8: {  	s28 =	simm.s32 $_size_execute0_lowered;
	s4 =	sadd.s32 s4, s6;
	[dreg:$0x0] =	wrdreg $0x0  }
0xa9: {  	s6 =	sshll.u32 s28, $0x1;
	[dreg:$0x2] =	wrdreg s4  }
0xaa: {  	[dreg:$0x3] =	wrdreg s6  }
0xab: {  	[dreg:$0x4] =	wrdreg $0xC0  }
0xac: {  	_ =	task [dreg:s8], $0x5FFFF  }
0xad: {  	[dreg:$0x1] =	wrdreg $0xFFFFFFFF  }
0xae: {  	[dreg:$0x0] =	wrdreg $0x60  }
0xaf: {  	[dreg:$0x2] =	wrdreg s24  }
0xb0: {  	[dreg:$0x3] =	wrdreg s2  }
0xb1: {  	[dreg:$0x4] =	wrdreg s18  }
0xb2: {  	[dreg:$0x5] =	wrdreg $0x9  }
0xb3: {  	_ =	task.clear_ibuf [dreg:s8], $0x6FFFF;
	_ =	strace $0x90000046  }
0xb4: {  	s29 =	simm.s32 $0x9;
	_ =	strace $0x80000048  }
0xb5: {  	_ =	swait.ge [sflag:s29], $0x1  }
0xb6: {  	[sflag:s29] =	ssyncadd.s32 $0xFFFFFFFF  }
0xb7: {  	_ =	strace $0x90000048  }
0xb8: {  	_ =	sfence  }
0xb9: {  	s30 =	sld [smem:$0x0];
	_ =	sdelay $0x2  }
0xba: {  	s31 =	sshll.u32 s1, $0xD;
	s1 =	sshrl.u32 s1, $0x2  }
0xbb: {  	s3 =	sand.u32 $0x4000, s31;
	s1 =	sadd.s32 s1, s30  }
0xbc: {  	s0 =	sor.u32 s3, s0;
	s1 =	sshll.u32 s1, $0x11  }
0xbd: {  	s0 =	sor.u32 s1, s0  }
0xbe: {  	s0 =	sadd.s32 $0x8F2B, s0  }
0xbf: {  	[sflag:s0] =	ssyncadd.remote.s32 $0x1  }
0xc0: {  	_ =	sfence.sel $0xFFFF  }
0xc1: {  	[dreg:$0x0] =	wrdreg $0xFFFFFFFF;
	(pc) =	sbr.abs _section_cstart, $3  }
0xc2: {  	[dreg:$0x1] =	wrdreg $0xFFFFFFFF  }
0xc3: {  	_ =	task.clear_ibuf [dreg:s8], $0x2FFFF;
	_ =	strace $0x9FFFFFFF  }
0xc4: {  	(tm) =	ssettm $0x7FFFFFFF  }
0xc5: {  	_ =	shalt  }
tec
execute0_lowered:
.L_overlay_start_1:
0x0: {  	(tag) =	ssettag $0x1  }
0x1: {  	s3 =	rddreg [dreg:$0x0]  }
0x2: {  	s1 =	rddreg [dreg:$0x1]  }
0x3: {  	s10 =	rddreg [dreg:$0x2]  }
0x4: {  	s0 =	rddreg [dreg:$0x3]  }
0x5: {  	s2 =	simm.s32 $0x0;
	s4 =	srdreg.scid;
	s19 =	simm.s32 $0x1C700  }
0x6: {  	s20 =	simm.s32 $0x1D700;
	s21 =	simm.s32 $0x1;
	s22 =	simm.s32 $0x0  }
0x7: {  	[smem:$0x7FF] =	sst s2;
	s9 =	sadd.s32 $0x400, s3;
	s3 =	stileid.u32  }
0x8: {  	s4 =	sand.u32 $0x1, s4;
	s13 =	sadd.s32 $0x1000, s10;
	s15 =	sadd.s32 $0x2000, s10  }
0x9: {  	s31 =	sadd.s32 $0x3000, s10;
	_ =	strace $0x80000047;
	s5 =	sshll.u32 s3, $0x9  }
0xa: {  	s6 =	sshrl.u32 s3, $0x1;
	s7 =	sshll.u32 s4, $0x8;
	s4 =	ssub.s32 $0x2, s4  }
0xb: {  	s5 =	sand.u32 $0x200, s5;
	s8 =	smul.u32 $0xC3800, s6;
	s28 =	sshrl.u32 s4, $0x1  }
0xc: {  	s11 =	sshll.u32 s6, $0x11;
	s7 =	sor.u32 s7, s5;
	s14 =	ssub.s32 s4, s28  }
0xd: {  	s29 =	sor.u32 s8, s7;
	s12 =	sor.u32 s11, s7;
	s16 =	sor.u32 $0x80, s7  }
0xe: {  	s14 =	smax.u32 s14, $0x1;
	s30 =	sshrl.u32 s29, $0x3;
	s12 =	sshrl.u32 s12, $0x3  }
0xf: {  	s8 =	sor.u32 s8, s16;
	s11 =	sor.u32 s11, s16;
	s16 =	simm.s32 $0x2  }
0x10: {  	s4 =	sadd.s32 s9, s30;
	s5 =	sadd.s32 s10, s12;
	s6 =	sadd.s32 s12, s13  }
0x11: {  	s7 =	sadd.s32 s12, s15;
	s17 =	sshrl.u32 s8, $0x3;
	s18 =	sshrl.u32 s11, $0x3  }
0x12: {  	s8 =	sadd.s32 s12, s31;
	s9 =	sadd.s32 s9, s17;
	s10 =	sadd.s32 s10, s18  }
0x13: {  	s11 =	sadd.s32 s18, s13;
	s12 =	sadd.s32 s18, s15;
	s13 =	sadd.s32 s18, s31  }
0x14: {  	s15 =	simm.s32 $0x18700;
	s17 =	simm.s32 $0x80;
	s18 =	simm.s32 $0x400  }
.LBB2_1:
0x15: {  	[tilespmem:s15], [sflag:$0x2] =	stream.linear.gather [hbm4b:s1+s2], $0x4000, $0x38;
	[tilespmem:$0x1E700] =	vst v63  }
0x16: {  	_ =	swait.ge [sflag:s16], $0x4000  }
0x17: {  	[sflag:s16] =	ssyncset.done $0x0  }
0x18: {  	[sflag:s16] =	ssyncadd.s32 $0xFFFFC000  }
0x19: {  	[tilespmem:s2], [sflag:$0x2] =	stream.strided.gather [hbm4b:s4+s17], $0x18700, s18, s17, $0x38;
	[tilespmem:$0x1E700] =	vst v63  }
0x1a: {  	_ =	swait.ge [sflag:s16], $0x18700  }
0x1b: {  	[sflag:s16] =	ssyncset.done $0x0  }
0x1c: {  	s23 =	simm.s32 $0x0;
	[sflag:s16] =	ssyncadd.s32 $0xFFFE7900  }
0x1d: {  	v0 =	vld [tilespmem:s23+$0x18700];
	_ =	sdelay $0x5  }
0x1e: {  	v1 =	vld [tilespmem:s23+$0x18710];
	_ =	sdelay $0x1  }
0x1f: {  	v0 =	vld.idx.msk [tilespmem:v0+s2+$0x0], $0xffff;
	_ =	sdelay $0x4  }
0x20: {  	[tilespmem:s23+$0x1C700] =	vst v0;
	v0 =	vld [tilespmem:s23+$0x18720]  }
0x21: {  	v1 =	vld.idx.msk [tilespmem:v1+s2+$0x0], $0xffff;
	_ =	sdelay $0x4  }
0x22: {  	[tilespmem:s23+$0x1C710] =	vst v1;
	v1 =	vld [tilespmem:s23+$0x18730];
	_ =	sdelay $0x1  }
0x23: {  	v0 =	vld.idx.msk [tilespmem:v0+s2+$0x0], $0xffff;
	_ =	sdelay $0x4  }
0x24: {  	[tilespmem:s23+$0x1C720] =	vst v0;
	v0 =	vld [tilespmem:s23+$0x18740]  }
0x25: {  	v1 =	vld.idx.msk [tilespmem:v1+s2+$0x0], $0xffff;
	_ =	sdelay $0x4  }
0x26: {  	[tilespmem:s23+$0x1C730] =	vst v1;
	v1 =	vld [tilespmem:s23+$0x18750];
	_ =	sdelay $0x1  }
0x27: {  	v0 =	vld.idx.msk [tilespmem:v0+s2+$0x0], $0xffff;
	_ =	sdelay $0x4  }
0x28: {  	v2 =	vld [tilespmem:s23+$0x18760];
	[tilespmem:s23+$0x1C740] =	vst v0  }
0x29: {  	v0 =	vld.idx.msk [tilespmem:v1+s2+$0x0], $0xffff;
	_ =	sdelay $0x4  }
0x2a: {  	[tilespmem:s23+$0x1C750] =	vst v0;
	v0 =	vld [tilespmem:s23+$0x18770];
	_ =	sdelay $0x1  }
0x2b: {  	v1 =	vld.idx.msk [tilespmem:v2+s2+$0x0], $0xffff;
	_ =	sdelay $0x3  }
0x2c: {  	s25 =	simm.s32 $0x80;
	s24 =	simm.s32 $0x400  }
.LBB2_2:
0x2d: {  	p0 =	sne.s32 s24, $0x3E00;
	v2 =	vld [tilespmem:s25+$0x18700];
	[tilespmem:s23+$0x1C760] =	vst v1  }
0x2e: {  	v0 =	vld.idx.msk [tilespmem:v0+s2+$0x0], $0xffff;
	_ =	sdelay $0x5  }
0x2f: {  	v1 =	vld [tilespmem:s25+$0x18710];
	[tilespmem:s23+$0x1C770] =	vst v0;
	s23 =	smov.u32 s25  }
0x30: {  	v0 =	vld.idx.msk [tilespmem:v2+s2+$0x0], $0xffff;
	_ =	sdelay $0x5  }
0x31: {  	[tilespmem:s23+$0x1C700] =	vst v0;
	v0 =	vld [tilespmem:s23+$0x18720]  }
0x32: {  	v1 =	vld.idx.msk [tilespmem:v1+s2+$0x0], $0xffff;
	_ =	sdelay $0x5  }
0x33: {  	[tilespmem:s23+$0x1C710] =	vst v1;
	v1 =	vld [tilespmem:s23+$0x18730]  }
0x34: {  	v0 =	vld.idx.msk [tilespmem:v0+s2+$0x0], $0xffff;
	_ =	sdelay $0x5  }
0x35: {  	[tilespmem:s23+$0x1C720] =	vst v0;
	v0 =	vld [tilespmem:s23+$0x18740]  }
0x36: {  	v1 =	vld.idx.msk [tilespmem:v1+s2+$0x0], $0xffff;
	_ =	sdelay $0x5  }
0x37: {  	[tilespmem:s23+$0x1C730] =	vst v1;
	v1 =	vld [tilespmem:s23+$0x18750]  }
0x38: {  	v0 =	vld.idx.msk [tilespmem:v0+s2+$0x0], $0xffff;
	_ =	sdelay $0x5  }
0x39: {  	[tilespmem:s23+$0x1C740] =	vst v0;
	v2 =	vld [tilespmem:s23+$0x18760]  }
0x3a: {  	v0 =	vld.idx.msk [tilespmem:v1+s2+$0x0], $0xffff;
	_ =	sdelay $0x5  }
0x3b: {  	[tilespmem:s23+$0x1C750] =	vst v0;
	v0 =	vld [tilespmem:s23+$0x18770]  }
0x3c: {  	v1 =	vld.idx.msk [tilespmem:v2+s2+$0x0], $0xffff  }
.Ltmp0:
0x3d: {  	(pc) =	sbr.rel @p0 .LBB2_2-.Ltmp0, $2  }
0x3e: {  	_ =	sdelay $0x2  }
0x3f: {  	s25 =	sshra.s32 s24, $0x2;
	s24 =	sadd.s32 $0x200, s24  }
0x40: {  	_ =	sdelay $0x1  }
0x41: {  	v2 =	vld [tilespmem:s25+$0x18700]  }
0x42: {  	[tilespmem:s23+$0x1C760] =	vst v1  }
0x43: {  	v0 =	vld.idx.msk [tilespmem:v0+s2+$0x0], $0xffff;
	_ =	sdelay $0x3  }
0x44: {  	v1 =	vld [tilespmem:s25+$0x18710]  }
0x45: {  	[tilespmem:s23+$0x1C770] =	vst v0  }
0x46: {  	v0 =	vld.idx.msk [tilespmem:v2+s2+$0x0], $0xffff;
	_ =	sdelay $0x4  }
0x47: {  	[tilespmem:s25+$0x1C700] =	vst v0;
	v0 =	vld [tilespmem:s25+$0x18720]  }
0x48: {  	v1 =	vld.idx.msk [tilespmem:v1+s2+$0x0], $0xffff;
	_ =	sdelay $0x4  }
0x49: {  	[tilespmem:s25+$0x1C710] =	vst v1;
	v1 =	vld [tilespmem:s25+$0x18730];
	_ =	sdelay $0x1  }
0x4a: {  	v0 =	vld.idx.msk [tilespmem:v0+s2+$0x0], $0xffff;
	_ =	sdelay $0x4  }
0x4b: {  	[tilespmem:s25+$0x1C720] =	vst v0;
	v0 =	vld [tilespmem:s25+$0x18740]  }
0x4c: {  	v1 =	vld.idx.msk [tilespmem:v1+s2+$0x0], $0xffff;
	_ =	sdelay $0x4  }
0x4d: {  	[tilespmem:s25+$0x1C730] =	vst v1;
	v1 =	vld [tilespmem:s25+$0x18750];
	_ =	sdelay $0x1  }
0x4e: {  	v0 =	vld.idx.msk [tilespmem:v0+s2+$0x0], $0xffff;
	_ =	sdelay $0x4  }
0x4f: {  	[tilespmem:s25+$0x1C740] =	vst v0;
	v0 =	vld [tilespmem:s25+$0x18760]  }
0x50: {  	v1 =	vld.idx.msk [tilespmem:v1+s2+$0x0], $0xffff;
	_ =	sdelay $0x4  }
0x51: {  	[tilespmem:s25+$0x1C750] =	vst v1;
	v1 =	vld [tilespmem:s25+$0x18770];
	_ =	sdelay $0x1  }
0x52: {  	v0 =	vld.idx.msk [tilespmem:v0+s2+$0x0], $0xffff;
	_ =	sdelay $0x4  }
0x53: {  	[tilespmem:s25+$0x1C760] =	vst v0  }
0x54: {  	v0 =	vld.idx.msk [tilespmem:v1+s2+$0x0], $0xffff;
	_ =	sdelay $0x4  }
0x55: {  	s23 =	simm.s32 $0x40;
	[tilespmem:s25+$0x1C770] =	vst v0  }
0x56: {  	[hbm4b:s5+s17] =	stream.strided.scatter [tilespmem:s19], [sflag:$0x1], $0x1000, s18, s17, $0x38;
	[tilespmem:$0x1E700] =	vst v63  }
0x57: {  	v0 =	vld [tilespmem:s23+$0x196C0];
	_ =	sdelay $0x5  }
0x58: {  	v1 =	vld [tilespmem:s23+$0x196D0];
	_ =	sdelay $0x1  }
0x59: {  	v0 =	vld.idx.msk [tilespmem:v0+s2+$0x0], $0xffff;
	_ =	sdelay $0x4  }
0x5a: {  	[tilespmem:s23+$0x1D6C0] =	vst v0;
	v0 =	vld [tilespmem:s23+$0x196E0]  }
0x5b: {  	v1 =	vld.idx.msk [tilespmem:v1+s2+$0x0], $0xffff;
	_ =	sdelay $0x4  }
0x5c: {  	[tilespmem:s23+$0x1D6D0] =	vst v1;
	v1 =	vld [tilespmem:s23+$0x196F0];
	_ =	sdelay $0x1  }
0x5d: {  	v0 =	vld.idx.msk [tilespmem:v0+s2+$0x0], $0xffff;
	_ =	sdelay $0x4  }
0x5e: {  	[tilespmem:s23+$0x1D6E0] =	vst v0;
	v0 =	vld [tilespmem:s23+$0x19700]  }
0x5f: {  	v1 =	vld.idx.msk [tilespmem:v1+s2+$0x0], $0xffff;
	_ =	sdelay $0x4  }
0x60: {  	[tilespmem:s23+$0x1D6F0] =	vst v1;
	v1 =	vld [tilespmem:s23+$0x19710];
	_ =	sdelay $0x1  }
0x61: {  	v0 =	vld.idx.msk [tilespmem:v0+s2+$0x0], $0xffff;
	_ =	sdelay $0x4  }
0x62: {  	v2 =	vld [tilespmem:s23+$0x19720];
	[tilespmem:s23+$0x1D700] =	vst v0  }
0x63: {  	v0 =	vld.idx.msk [tilespmem:v1+s2+$0x0], $0xffff;
	_ =	sdelay $0x4  }
0x64: {  	[tilespmem:s23+$0x1D710] =	vst v0;
	v0 =	vld [tilespmem:s23+$0x19730];
	_ =	sdelay $0x1  }
0x65: {  	v1 =	vld.idx.msk [tilespmem:v2+s2+$0x0], $0xffff;
	_ =	sdelay $0x3  }
0x66: {  	s24 =	simm.s32 $0x500;
	s25 =	simm.s32 $0xC0  }
.LBB2_4:
0x67: {  	p0 =	sne.s32 s24, $0x3F00;
	v2 =	vld [tilespmem:s25+$0x196C0];
	[tilespmem:s23+$0x1D720] =	vst v1  }
0x68: {  	v0 =	vld.idx.msk [tilespmem:v0+s2+$0x0], $0xffff;
	_ =	sdelay $0x5  }
0x69: {  	v1 =	vld [tilespmem:s25+$0x196D0];
	[tilespmem:s23+$0x1D730] =	vst v0;
	s23 =	smov.u32 s25  }
0x6a: {  	v0 =	vld.idx.msk [tilespmem:v2+s2+$0x0], $0xffff;
	_ =	sdelay $0x5  }
0x6b: {  	[tilespmem:s23+$0x1D6C0] =	vst v0;
	v0 =	vld [tilespmem:s23+$0x196E0]  }
0x6c: {  	v1 =	vld.idx.msk [tilespmem:v1+s2+$0x0], $0xffff;
	_ =	sdelay $0x5  }
0x6d: {  	[tilespmem:s23+$0x1D6D0] =	vst v1;
	v1 =	vld [tilespmem:s23+$0x196F0]  }
0x6e: {  	v0 =	vld.idx.msk [tilespmem:v0+s2+$0x0], $0xffff;
	_ =	sdelay $0x5  }
0x6f: {  	[tilespmem:s23+$0x1D6E0] =	vst v0;
	v0 =	vld [tilespmem:s23+$0x19700]  }
0x70: {  	v1 =	vld.idx.msk [tilespmem:v1+s2+$0x0], $0xffff;
	_ =	sdelay $0x5  }
0x71: {  	[tilespmem:s23+$0x1D6F0] =	vst v1;
	v1 =	vld [tilespmem:s23+$0x19710]  }
0x72: {  	v0 =	vld.idx.msk [tilespmem:v0+s2+$0x0], $0xffff;
	_ =	sdelay $0x5  }
0x73: {  	[tilespmem:s23+$0x1D700] =	vst v0;
	v2 =	vld [tilespmem:s23+$0x19720]  }
0x74: {  	v0 =	vld.idx.msk [tilespmem:v1+s2+$0x0], $0xffff;
	_ =	sdelay $0x5  }
0x75: {  	[tilespmem:s23+$0x1D710] =	vst v0;
	v0 =	vld [tilespmem:s23+$0x19730]  }
0x76: {  	v1 =	vld.idx.msk [tilespmem:v2+s2+$0x0], $0xffff  }
.Ltmp1:
0x77: {  	(pc) =	sbr.rel @p0 .LBB2_4-.Ltmp1, $2  }
0x78: {  	_ =	sdelay $0x2  }
0x79: {  	s25 =	sshra.s32 s24, $0x2;
	s24 =	sadd.s32 $0x200, s24  }
0x7a: {  	_ =	sdelay $0x1  }
0x7b: {  	v2 =	vld [tilespmem:s25+$0x196C0]  }
0x7c: {  	[tilespmem:s23+$0x1D720] =	vst v1  }
0x7d: {  	v0 =	vld.idx.msk [tilespmem:v0+s2+$0x0], $0xffff;
	_ =	sdelay $0x3  }
0x7e: {  	v1 =	vld [tilespmem:s25+$0x196D0]  }
0x7f: {  	[tilespmem:s23+$0x1D730] =	vst v0  }
0x80: {  	v0 =	vld.idx.msk [tilespmem:v2+s2+$0x0], $0xffff;
	_ =	sdelay $0x4  }
0x81: {  	[tilespmem:s25+$0x1D6C0] =	vst v0;
	v0 =	vld [tilespmem:s25+$0x196E0]  }
0x82: {  	v1 =	vld.idx.msk [tilespmem:v1+s2+$0x0], $0xffff;
	_ =	sdelay $0x4  }
0x83: {  	[tilespmem:s25+$0x1D6D0] =	vst v1;
	v1 =	vld [tilespmem:s25+$0x196F0];
	_ =	sdelay $0x1  }
0x84: {  	v0 =	vld.idx.msk [tilespmem:v0+s2+$0x0], $0xffff;
	_ =	sdelay $0x4  }
0x85: {  	[tilespmem:s25+$0x1D6E0] =	vst v0;
	v0 =	vld [tilespmem:s25+$0x19700]  }
0x86: {  	v1 =	vld.idx.msk [tilespmem:v1+s2+$0x0], $0xffff;
	_ =	sdelay $0x4  }
0x87: {  	[tilespmem:s25+$0x1D6F0] =	vst v1;
	v1 =	vld [tilespmem:s25+$0x19710];
	_ =	sdelay $0x1  }
0x88: {  	v0 =	vld.idx.msk [tilespmem:v0+s2+$0x0], $0xffff;
	_ =	sdelay $0x4  }
0x89: {  	[tilespmem:s25+$0x1D700] =	vst v0;
	v0 =	vld [tilespmem:s25+$0x19720]  }
0x8a: {  	v1 =	vld.idx.msk [tilespmem:v1+s2+$0x0], $0xffff;
	_ =	sdelay $0x4  }
0x8b: {  	[tilespmem:s25+$0x1D710] =	vst v1;
	v1 =	vld [tilespmem:s25+$0x19730];
	_ =	sdelay $0x1  }
0x8c: {  	v0 =	vld.idx.msk [tilespmem:v0+s2+$0x0], $0xffff;
	_ =	sdelay $0x4  }
0x8d: {  	[tilespmem:s25+$0x1D720] =	vst v0  }
0x8e: {  	v0 =	vld.idx.msk [tilespmem:v1+s2+$0x0], $0xffff;
	_ =	sdelay $0x4  }
0x8f: {  	[tilespmem:s25+$0x1D730] =	vst v0  }
0x90: {  	[hbm4b:s6+s17] =	stream.strided.scatter [tilespmem:s20], [sflag:$0x1], $0x1000, s18, s17, $0x38;
	[tilespmem:$0x1E700] =	vst v63  }
0x91: {  	_ =	swait.ge [sflag:s21], $0x1000  }
0x92: {  	[sflag:s21] =	ssyncset.done $0x0  }
0x93: {  	s23 =	simm.s32 $0x0;
	[sflag:s21] =	ssyncadd.s32 $0xFFFFF000  }
0x94: {  	v0 =	vld [tilespmem:s23+$0x1A700];
	_ =	sdelay $0x5  }
0x95: {  	v1 =	vld [tilespmem:s23+$0x1A710];
	_ =	sdelay $0x1  }
0x96: {  	v0 =	vld.idx.msk [tilespmem:v0+s2+$0x0], $0xffff;
	_ =	sdelay $0x4  }
0x97: {  	[tilespmem:s23+$0x1C700] =	vst v0;
	v0 =	vld [tilespmem:s23+$0x1A720]  }
0x98: {  	v1 =	vld.idx.msk [tilespmem:v1+s2+$0x0], $0xffff;
	_ =	sdelay $0x4  }
0x99: {  	[tilespmem:s23+$0x1C710] =	vst v1;
	v1 =	vld [tilespmem:s23+$0x1A730];
	_ =	sdelay $0x1  }
0x9a: {  	v0 =	vld.idx.msk [tilespmem:v0+s2+$0x0], $0xffff;
	_ =	sdelay $0x4  }
0x9b: {  	[tilespmem:s23+$0x1C720] =	vst v0;
	v0 =	vld [tilespmem:s23+$0x1A740]  }
0x9c: {  	v1 =	vld.idx.msk [tilespmem:v1+s2+$0x0], $0xffff;
	_ =	sdelay $0x4  }
0x9d: {  	[tilespmem:s23+$0x1C730] =	vst v1;
	v1 =	vld [tilespmem:s23+$0x1A750];
	_ =	sdelay $0x1  }
0x9e: {  	v0 =	vld.idx.msk [tilespmem:v0+s2+$0x0], $0xffff;
	_ =	sdelay $0x4  }
0x9f: {  	v2 =	vld [tilespmem:s23+$0x1A760];
	[tilespmem:s23+$0x1C740] =	vst v0  }
0xa0: {  	v0 =	vld.idx.msk [tilespmem:v1+s2+$0x0], $0xffff;
	_ =	sdelay $0x4  }
0xa1: {  	[tilespmem:s23+$0x1C750] =	vst v0;
	v0 =	vld [tilespmem:s23+$0x1A770];
	_ =	sdelay $0x1  }
0xa2: {  	v1 =	vld.idx.msk [tilespmem:v2+s2+$0x0], $0xffff;
	_ =	sdelay $0x3  }
0xa3: {  	s24 =	simm.s32 $0x400;
	s25 =	simm.s32 $0x80  }
.LBB2_6:
0xa4: {  	p0 =	sne.s32 s24, $0x3E00;
	v2 =	vld [tilespmem:s25+$0x1A700];
	[tilespmem:s23+$0x1C760] =	vst v1  }
0xa5: {  	v0 =	vld.idx.msk [tilespmem:v0+s2+$0x0], $0xffff;
	_ =	sdelay $0x5  }
0xa6: {  	v1 =	vld [tilespmem:s25+$0x1A710];
	[tilespmem:s23+$0x1C770] =	vst v0;
	s23 =	smov.u32 s25  }
0xa7: {  	v0 =	vld.idx.msk [tilespmem:v2+s2+$0x0], $0xffff;
	_ =	sdelay $0x5  }
0xa8: {  	[tilespmem:s23+$0x1C700] =	vst v0;
	v0 =	vld [tilespmem:s23+$0x1A720]  }
0xa9: {  	v1 =	vld.idx.msk [tilespmem:v1+s2+$0x0], $0xffff;
	_ =	sdelay $0x5  }
0xaa: {  	[tilespmem:s23+$0x1C710] =	vst v1;
	v1 =	vld [tilespmem:s23+$0x1A730]  }
0xab: {  	v0 =	vld.idx.msk [tilespmem:v0+s2+$0x0], $0xffff;
	_ =	sdelay $0x5  }
0xac: {  	[tilespmem:s23+$0x1C720] =	vst v0;
	v0 =	vld [tilespmem:s23+$0x1A740]  }
0xad: {  	v1 =	vld.idx.msk [tilespmem:v1+s2+$0x0], $0xffff;
	_ =	sdelay $0x5  }
0xae: {  	[tilespmem:s23+$0x1C730] =	vst v1;
	v1 =	vld [tilespmem:s23+$0x1A750]  }
0xaf: {  	v0 =	vld.idx.msk [tilespmem:v0+s2+$0x0], $0xffff;
	_ =	sdelay $0x5  }
0xb0: {  	[tilespmem:s23+$0x1C740] =	vst v0;
	v2 =	vld [tilespmem:s23+$0x1A760]  }
0xb1: {  	v0 =	vld.idx.msk [tilespmem:v1+s2+$0x0], $0xffff;
	_ =	sdelay $0x5  }
0xb2: {  	[tilespmem:s23+$0x1C750] =	vst v0;
	v0 =	vld [tilespmem:s23+$0x1A770]  }
0xb3: {  	v1 =	vld.idx.msk [tilespmem:v2+s2+$0x0], $0xffff  }
.Ltmp2:
0xb4: {  	(pc) =	sbr.rel @p0 .LBB2_6-.Ltmp2, $2  }
0xb5: {  	_ =	sdelay $0x2  }
0xb6: {  	s25 =	sshra.s32 s24, $0x2;
	s24 =	sadd.s32 $0x200, s24  }
0xb7: {  	_ =	sdelay $0x1  }
0xb8: {  	v2 =	vld [tilespmem:s25+$0x1A700]  }
0xb9: {  	[tilespmem:s23+$0x1C760] =	vst v1  }
0xba: {  	v0 =	vld.idx.msk [tilespmem:v0+s2+$0x0], $0xffff;
	_ =	sdelay $0x3  }
0xbb: {  	v1 =	vld [tilespmem:s25+$0x1A710]  }
0xbc: {  	[tilespmem:s23+$0x1C770] =	vst v0  }
0xbd: {  	v0 =	vld.idx.msk [tilespmem:v2+s2+$0x0], $0xffff;
	_ =	sdelay $0x4  }
0xbe: {  	[tilespmem:s25+$0x1C700] =	vst v0;
	v0 =	vld [tilespmem:s25+$0x1A720]  }
0xbf: {  	v1 =	vld.idx.msk [tilespmem:v1+s2+$0x0], $0xffff;
	_ =	sdelay $0x4  }
0xc0: {  	[tilespmem:s25+$0x1C710] =	vst v1;
	v1 =	vld [tilespmem:s25+$0x1A730];
	_ =	sdelay $0x1  }
0xc1: {  	v0 =	vld.idx.msk [tilespmem:v0+s2+$0x0], $0xffff;
	_ =	sdelay $0x4  }
0xc2: {  	[tilespmem:s25+$0x1C720] =	vst v0;
	v0 =	vld [tilespmem:s25+$0x1A740]  }
0xc3: {  	v1 =	vld.idx.msk [tilespmem:v1+s2+$0x0], $0xffff;
	_ =	sdelay $0x4  }
0xc4: {  	[tilespmem:s25+$0x1C730] =	vst v1;
	v1 =	vld [tilespmem:s25+$0x1A750];
	_ =	sdelay $0x1  }
0xc5: {  	v0 =	vld.idx.msk [tilespmem:v0+s2+$0x0], $0xffff;
	_ =	sdelay $0x4  }
0xc6: {  	[tilespmem:s25+$0x1C740] =	vst v0;
	v0 =	vld [tilespmem:s25+$0x1A760]  }
0xc7: {  	v1 =	vld.idx.msk [tilespmem:v1+s2+$0x0], $0xffff;
	_ =	sdelay $0x4  }
0xc8: {  	[tilespmem:s25+$0x1C750] =	vst v1;
	v1 =	vld [tilespmem:s25+$0x1A770];
	_ =	sdelay $0x1  }
0xc9: {  	v0 =	vld.idx.msk [tilespmem:v0+s2+$0x0], $0xffff;
	_ =	sdelay $0x4  }
0xca: {  	[tilespmem:s25+$0x1C760] =	vst v0  }
0xcb: {  	v0 =	vld.idx.msk [tilespmem:v1+s2+$0x0], $0xffff;
	_ =	sdelay $0x4  }
0xcc: {  	[tilespmem:s25+$0x1C770] =	vst v0  }
0xcd: {  	[hbm4b:s7+s17] =	stream.strided.scatter [tilespmem:s19], [sflag:$0x1], $0x1000, s18, s17, $0x38;
	[tilespmem:$0x1E700] =	vst v63  }
0xce: {  	_ =	swait.ge [sflag:s21], $0x1000  }
0xcf: {  	[sflag:s21] =	ssyncset.done $0x0  }
0xd0: {  	s23 =	simm.s32 $0x0;
	[sflag:s21] =	ssyncadd.s32 $0xFFFFF000  }
0xd1: {  	v0 =	vld [tilespmem:s23+$0x1B700];
	_ =	sdelay $0x5  }
0xd2: {  	v1 =	vld [tilespmem:s23+$0x1B710];
	_ =	sdelay $0x1  }
0xd3: {  	v0 =	vld.idx.msk [tilespmem:v0+s2+$0x0], $0xffff;
	_ =	sdelay $0x4  }
0xd4: {  	[tilespmem:s23+$0x1D700] =	vst v0;
	v0 =	vld [tilespmem:s23+$0x1B720]  }
0xd5: {  	v1 =	vld.idx.msk [tilespmem:v1+s2+$0x0], $0xffff;
	_ =	sdelay $0x4  }
0xd6: {  	[tilespmem:s23+$0x1D710] =	vst v1;
	v1 =	vld [tilespmem:s23+$0x1B730];
	_ =	sdelay $0x1  }
0xd7: {  	v0 =	vld.idx.msk [tilespmem:v0+s2+$0x0], $0xffff;
	_ =	sdelay $0x4  }
0xd8: {  	[tilespmem:s23+$0x1D720] =	vst v0;
	v0 =	vld [tilespmem:s23+$0x1B740]  }
0xd9: {  	v1 =	vld.idx.msk [tilespmem:v1+s2+$0x0], $0xffff;
	_ =	sdelay $0x4  }
0xda: {  	[tilespmem:s23+$0x1D730] =	vst v1;
	v1 =	vld [tilespmem:s23+$0x1B750];
	_ =	sdelay $0x1  }
0xdb: {  	v0 =	vld.idx.msk [tilespmem:v0+s2+$0x0], $0xffff;
	_ =	sdelay $0x4  }
0xdc: {  	v2 =	vld [tilespmem:s23+$0x1B760];
	[tilespmem:s23+$0x1D740] =	vst v0  }
0xdd: {  	v0 =	vld.idx.msk [tilespmem:v1+s2+$0x0], $0xffff;
	_ =	sdelay $0x4  }
0xde: {  	[tilespmem:s23+$0x1D750] =	vst v0;
	v0 =	vld [tilespmem:s23+$0x1B770];
	_ =	sdelay $0x1  }
0xdf: {  	v1 =	vld.idx.msk [tilespmem:v2+s2+$0x0], $0xffff;
	_ =	sdelay $0x3  }
0xe0: {  	s24 =	simm.s32 $0x400;
	s25 =	simm.s32 $0x80  }
.LBB2_8:
0xe1: {  	p0 =	sne.s32 s24, $0x3E00;
	v2 =	vld [tilespmem:s25+$0x1B700];
	[tilespmem:s23+$0x1D760] =	vst v1  }
0xe2: {  	v0 =	vld.idx.msk [tilespmem:v0+s2+$0x0], $0xffff;
	_ =	sdelay $0x5  }
0xe3: {  	v1 =	vld [tilespmem:s25+$0x1B710];
	[tilespmem:s23+$0x1D770] =	vst v0;
	s23 =	smov.u32 s25  }
0xe4: {  	v0 =	vld.idx.msk [tilespmem:v2+s2+$0x0], $0xffff;
	_ =	sdelay $0x5  }
0xe5: {  	[tilespmem:s23+$0x1D700] =	vst v0;
	v0 =	vld [tilespmem:s23+$0x1B720]  }
0xe6: {  	v1 =	vld.idx.msk [tilespmem:v1+s2+$0x0], $0xffff;
	_ =	sdelay $0x5  }
0xe7: {  	[tilespmem:s23+$0x1D710] =	vst v1;
	v1 =	vld [tilespmem:s23+$0x1B730]  }
0xe8: {  	v0 =	vld.idx.msk [tilespmem:v0+s2+$0x0], $0xffff;
	_ =	sdelay $0x5  }
0xe9: {  	[tilespmem:s23+$0x1D720] =	vst v0;
	v0 =	vld [tilespmem:s23+$0x1B740]  }
0xea: {  	v1 =	vld.idx.msk [tilespmem:v1+s2+$0x0], $0xffff;
	_ =	sdelay $0x5  }
0xeb: {  	[tilespmem:s23+$0x1D730] =	vst v1;
	v1 =	vld [tilespmem:s23+$0x1B750]  }
0xec: {  	v0 =	vld.idx.msk [tilespmem:v0+s2+$0x0], $0xffff;
	_ =	sdelay $0x5  }
0xed: {  	[tilespmem:s23+$0x1D740] =	vst v0;
	v2 =	vld [tilespmem:s23+$0x1B760]  }
0xee: {  	v0 =	vld.idx.msk [tilespmem:v1+s2+$0x0], $0xffff;
	_ =	sdelay $0x5  }
0xef: {  	[tilespmem:s23+$0x1D750] =	vst v0;
	v0 =	vld [tilespmem:s23+$0x1B770]  }
0xf0: {  	v1 =	vld.idx.msk [tilespmem:v2+s2+$0x0], $0xffff  }
.Ltmp3:
0xf1: {  	(pc) =	sbr.rel @p0 .LBB2_8-.Ltmp3, $2  }
0xf2: {  	_ =	sdelay $0x2  }
0xf3: {  	s25 =	sshra.s32 s24, $0x2;
	s24 =	sadd.s32 $0x200, s24  }
0xf4: {  	_ =	sdelay $0x1  }
0xf5: {  	v2 =	vld [tilespmem:s25+$0x1B700]  }
0xf6: {  	[tilespmem:s23+$0x1D760] =	vst v1  }
0xf7: {  	v0 =	vld.idx.msk [tilespmem:v0+s2+$0x0], $0xffff;
	_ =	sdelay $0x3  }
0xf8: {  	v1 =	vld [tilespmem:s25+$0x1B710]  }
0xf9: {  	[tilespmem:s23+$0x1D770] =	vst v0  }
0xfa: {  	v0 =	vld.idx.msk [tilespmem:v2+s2+$0x0], $0xffff;
	_ =	sdelay $0x4  }
0xfb: {  	[tilespmem:s25+$0x1D700] =	vst v0;
	v0 =	vld [tilespmem:s25+$0x1B720]  }
0xfc: {  	v1 =	vld.idx.msk [tilespmem:v1+s2+$0x0], $0xffff;
	_ =	sdelay $0x4  }
0xfd: {  	[tilespmem:s25+$0x1D710] =	vst v1;
	v1 =	vld [tilespmem:s25+$0x1B730];
	_ =	sdelay $0x1  }
0xfe: {  	v0 =	vld.idx.msk [tilespmem:v0+s2+$0x0], $0xffff;
	_ =	sdelay $0x4  }
0xff: {  	[tilespmem:s25+$0x1D720] =	vst v0;
	v0 =	vld [tilespmem:s25+$0x1B740]  }
0x100: {  	v1 =	vld.idx.msk [tilespmem:v1+s2+$0x0], $0xffff;
	_ =	sdelay $0x4  }
0x101: {  	[tilespmem:s25+$0x1D730] =	vst v1;
	v1 =	vld [tilespmem:s25+$0x1B750];
	_ =	sdelay $0x1  }
0x102: {  	v0 =	vld.idx.msk [tilespmem:v0+s2+$0x0], $0xffff;
	_ =	sdelay $0x4  }
0x103: {  	[tilespmem:s25+$0x1D740] =	vst v0;
	v0 =	vld [tilespmem:s25+$0x1B760]  }
0x104: {  	v1 =	vld.idx.msk [tilespmem:v1+s2+$0x0], $0xffff;
	_ =	sdelay $0x4  }
0x105: {  	[tilespmem:s25+$0x1D750] =	vst v1;
	v1 =	vld [tilespmem:s25+$0x1B770];
	_ =	sdelay $0x1  }
0x106: {  	v0 =	vld.idx.msk [tilespmem:v0+s2+$0x0], $0xffff;
	_ =	sdelay $0x4  }
0x107: {  	[tilespmem:s25+$0x1D760] =	vst v0  }
0x108: {  	v0 =	vld.idx.msk [tilespmem:v1+s2+$0x0], $0xffff;
	_ =	sdelay $0x4  }
0x109: {  	[tilespmem:s25+$0x1D770] =	vst v0  }
0x10a: {  	[hbm4b:s8+s17] =	stream.strided.scatter [tilespmem:s20], [sflag:$0x1], $0x1000, s18, s17, $0x38;
	[tilespmem:$0x1E700] =	vst v63  }
0x10b: {  	_ =	swait.ge [sflag:s21], $0x1000  }
0x10c: {  	[sflag:s21] =	ssyncset.done $0x0  }
0x10d: {  	[sflag:s21] =	ssyncadd.s32 $0xFFFFF000  }
0x10e: {  	_ =	swait.ge [sflag:s21], $0x1000  }
0x10f: {  	[sflag:s21] =	ssyncset.done $0x0  }
0x110: {  	s31 =	simm.s32 $0x0;
	[sflag:s21] =	ssyncadd.s32 $0xFFFFF000  }
0x111: {  	[tilespmem:s31], [sflag:$0x2] =	stream.strided.gather [hbm4b:s9+s17], $0x18700, s18, s17, $0x38;
	[tilespmem:$0x1E700] =	vst v63  }
0x112: {  	_ =	swait.ge [sflag:s16], $0x18700  }
0x113: {  	[sflag:s16] =	ssyncset.done $0x0  }
0x114: {  	s23 =	simm.s32 $0x0;
	[sflag:s16] =	ssyncadd.s32 $0xFFFE7900  }
0x115: {  	v0 =	vld [tilespmem:s23+$0x18700];
	_ =	sdelay $0x5  }
0x116: {  	v1 =	vld [tilespmem:s23+$0x18710];
	_ =	sdelay $0x1  }
0x117: {  	v0 =	vld.idx.msk [tilespmem:v0+s2+$0x0], $0xffff;
	_ =	sdelay $0x4  }
0x118: {  	[tilespmem:s23+$0x1C700] =	vst v0;
	v0 =	vld [tilespmem:s23+$0x18720]  }
0x119: {  	v1 =	vld.idx.msk [tilespmem:v1+s2+$0x0], $0xffff;
	_ =	sdelay $0x4  }
0x11a: {  	[tilespmem:s23+$0x1C710] =	vst v1;
	v1 =	vld [tilespmem:s23+$0x18730];
	_ =	sdelay $0x1  }
0x11b: {  	v0 =	vld.idx.msk [tilespmem:v0+s2+$0x0], $0xffff;
	_ =	sdelay $0x4  }
0x11c: {  	[tilespmem:s23+$0x1C720] =	vst v0;
	v0 =	vld [tilespmem:s23+$0x18740]  }
0x11d: {  	v1 =	vld.idx.msk [tilespmem:v1+s2+$0x0], $0xffff;
	_ =	sdelay $0x4  }
0x11e: {  	[tilespmem:s23+$0x1C730] =	vst v1;
	v1 =	vld [tilespmem:s23+$0x18750];
	_ =	sdelay $0x1  }
0x11f: {  	v0 =	vld.idx.msk [tilespmem:v0+s2+$0x0], $0xffff;
	_ =	sdelay $0x4  }
0x120: {  	v2 =	vld [tilespmem:s23+$0x18760];
	[tilespmem:s23+$0x1C740] =	vst v0  }
0x121: {  	v0 =	vld.idx.msk [tilespmem:v1+s2+$0x0], $0xffff;
	_ =	sdelay $0x4  }
0x122: {  	[tilespmem:s23+$0x1C750] =	vst v0;
	v0 =	vld [tilespmem:s23+$0x18770];
	_ =	sdelay $0x1  }
0x123: {  	v1 =	vld.idx.msk [tilespmem:v2+s2+$0x0], $0xffff;
	_ =	sdelay $0x3  }
0x124: {  	s24 =	simm.s32 $0x400;
	s25 =	simm.s32 $0x80  }
.LBB2_10:
0x125: {  	p0 =	sne.s32 s24, $0x3E00;
	v2 =	vld [tilespmem:s25+$0x18700];
	[tilespmem:s23+$0x1C760] =	vst v1  }
0x126: {  	v0 =	vld.idx.msk [tilespmem:v0+s2+$0x0], $0xffff;
	_ =	sdelay $0x5  }
0x127: {  	v1 =	vld [tilespmem:s25+$0x18710];
	[tilespmem:s23+$0x1C770] =	vst v0;
	s23 =	smov.u32 s25  }
0x128: {  	v0 =	vld.idx.msk [tilespmem:v2+s2+$0x0], $0xffff;
	_ =	sdelay $0x5  }
0x129: {  	[tilespmem:s23+$0x1C700] =	vst v0;
	v0 =	vld [tilespmem:s23+$0x18720]  }
0x12a: {  	v1 =	vld.idx.msk [tilespmem:v1+s2+$0x0], $0xffff;
	_ =	sdelay $0x5  }
0x12b: {  	[tilespmem:s23+$0x1C710] =	vst v1;
	v1 =	vld [tilespmem:s23+$0x18730]  }
0x12c: {  	v0 =	vld.idx.msk [tilespmem:v0+s2+$0x0], $0xffff;
	_ =	sdelay $0x5  }
0x12d: {  	[tilespmem:s23+$0x1C720] =	vst v0;
	v0 =	vld [tilespmem:s23+$0x18740]  }
0x12e: {  	v1 =	vld.idx.msk [tilespmem:v1+s2+$0x0], $0xffff;
	_ =	sdelay $0x5  }
0x12f: {  	[tilespmem:s23+$0x1C730] =	vst v1;
	v1 =	vld [tilespmem:s23+$0x18750]  }
0x130: {  	v0 =	vld.idx.msk [tilespmem:v0+s2+$0x0], $0xffff;
	_ =	sdelay $0x5  }
0x131: {  	[tilespmem:s23+$0x1C740] =	vst v0;
	v2 =	vld [tilespmem:s23+$0x18760]  }
0x132: {  	v0 =	vld.idx.msk [tilespmem:v1+s2+$0x0], $0xffff;
	_ =	sdelay $0x5  }
0x133: {  	[tilespmem:s23+$0x1C750] =	vst v0;
	v0 =	vld [tilespmem:s23+$0x18770]  }
0x134: {  	v1 =	vld.idx.msk [tilespmem:v2+s2+$0x0], $0xffff  }
.Ltmp4:
0x135: {  	(pc) =	sbr.rel @p0 .LBB2_10-.Ltmp4, $2  }
0x136: {  	_ =	sdelay $0x2  }
0x137: {  	s25 =	sshra.s32 s24, $0x2;
	s24 =	sadd.s32 $0x200, s24  }
0x138: {  	_ =	sdelay $0x1  }
0x139: {  	v2 =	vld [tilespmem:s25+$0x18700]  }
0x13a: {  	[tilespmem:s23+$0x1C760] =	vst v1  }
0x13b: {  	v0 =	vld.idx.msk [tilespmem:v0+s2+$0x0], $0xffff;
	_ =	sdelay $0x3  }
0x13c: {  	v1 =	vld [tilespmem:s25+$0x18710]  }
0x13d: {  	[tilespmem:s23+$0x1C770] =	vst v0  }
0x13e: {  	v0 =	vld.idx.msk [tilespmem:v2+s2+$0x0], $0xffff;
	_ =	sdelay $0x4  }
0x13f: {  	[tilespmem:s25+$0x1C700] =	vst v0;
	v0 =	vld [tilespmem:s25+$0x18720]  }
0x140: {  	v1 =	vld.idx.msk [tilespmem:v1+s2+$0x0], $0xffff;
	_ =	sdelay $0x4  }
0x141: {  	[tilespmem:s25+$0x1C710] =	vst v1;
	v1 =	vld [tilespmem:s25+$0x18730];
	_ =	sdelay $0x1  }
0x142: {  	v0 =	vld.idx.msk [tilespmem:v0+s2+$0x0], $0xffff;
	_ =	sdelay $0x4  }
0x143: {  	[tilespmem:s25+$0x1C720] =	vst v0;
	v0 =	vld [tilespmem:s25+$0x18740]  }
0x144: {  	v1 =	vld.idx.msk [tilespmem:v1+s2+$0x0], $0xffff;
	_ =	sdelay $0x4  }
0x145: {  	[tilespmem:s25+$0x1C730] =	vst v1;
	v1 =	vld [tilespmem:s25+$0x18750];
	_ =	sdelay $0x1  }
0x146: {  	v0 =	vld.idx.msk [tilespmem:v0+s2+$0x0], $0xffff;
	_ =	sdelay $0x4  }
0x147: {  	[tilespmem:s25+$0x1C740] =	vst v0;
	v0 =	vld [tilespmem:s25+$0x18760]  }
0x148: {  	v1 =	vld.idx.msk [tilespmem:v1+s2+$0x0], $0xffff;
	_ =	sdelay $0x4  }
0x149: {  	[tilespmem:s25+$0x1C750] =	vst v1;
	v1 =	vld [tilespmem:s25+$0x18770];
	_ =	sdelay $0x1  }
0x14a: {  	v0 =	vld.idx.msk [tilespmem:v0+s2+$0x0], $0xffff;
	_ =	sdelay $0x4  }
0x14b: {  	[tilespmem:s25+$0x1C760] =	vst v0  }
0x14c: {  	v0 =	vld.idx.msk [tilespmem:v1+s2+$0x0], $0xffff;
	_ =	sdelay $0x4  }
0x14d: {  	s23 =	simm.s32 $0x40;
	[tilespmem:s25+$0x1C770] =	vst v0  }
0x14e: {  	[hbm4b:s10+s17] =	stream.strided.scatter [tilespmem:s19], [sflag:$0x1], $0x1000, s18, s17, $0x38;
	[tilespmem:$0x1E700] =	vst v63  }
0x14f: {  	v0 =	vld [tilespmem:s23+$0x196C0];
	_ =	sdelay $0x5  }
0x150: {  	v1 =	vld [tilespmem:s23+$0x196D0];
	_ =	sdelay $0x1  }
0x151: {  	v0 =	vld.idx.msk [tilespmem:v0+s2+$0x0], $0xffff;
	_ =	sdelay $0x4  }
0x152: {  	[tilespmem:s23+$0x1D6C0] =	vst v0;
	v0 =	vld [tilespmem:s23+$0x196E0]  }
0x153: {  	v1 =	vld.idx.msk [tilespmem:v1+s2+$0x0], $0xffff;
	_ =	sdelay $0x4  }
0x154: {  	[tilespmem:s23+$0x1D6D0] =	vst v1;
	v1 =	vld [tilespmem:s23+$0x196F0];
	_ =	sdelay $0x1  }
0x155: {  	v0 =	vld.idx.msk [tilespmem:v0+s2+$0x0], $0xffff;
	_ =	sdelay $0x4  }
0x156: {  	[tilespmem:s23+$0x1D6E0] =	vst v0;
	v0 =	vld [tilespmem:s23+$0x19700]  }
0x157: {  	v1 =	vld.idx.msk [tilespmem:v1+s2+$0x0], $0xffff;
	_ =	sdelay $0x4  }
0x158: {  	[tilespmem:s23+$0x1D6F0] =	vst v1;
	v1 =	vld [tilespmem:s23+$0x19710];
	_ =	sdelay $0x1  }
0x159: {  	v0 =	vld.idx.msk [tilespmem:v0+s2+$0x0], $0xffff;
	_ =	sdelay $0x4  }
0x15a: {  	v2 =	vld [tilespmem:s23+$0x19720];
	[tilespmem:s23+$0x1D700] =	vst v0  }
0x15b: {  	v0 =	vld.idx.msk [tilespmem:v1+s2+$0x0], $0xffff;
	_ =	sdelay $0x4  }
0x15c: {  	[tilespmem:s23+$0x1D710] =	vst v0;
	v0 =	vld [tilespmem:s23+$0x19730];
	_ =	sdelay $0x1  }
0x15d: {  	v1 =	vld.idx.msk [tilespmem:v2+s2+$0x0], $0xffff;
	_ =	sdelay $0x3  }
0x15e: {  	s24 =	simm.s32 $0x500;
	s25 =	simm.s32 $0xC0  }
.LBB2_12:
0x15f: {  	p0 =	sne.s32 s24, $0x3F00;
	v2 =	vld [tilespmem:s25+$0x196C0];
	[tilespmem:s23+$0x1D720] =	vst v1  }
0x160: {  	v0 =	vld.idx.msk [tilespmem:v0+s2+$0x0], $0xffff;
	_ =	sdelay $0x5  }
0x161: {  	v1 =	vld [tilespmem:s25+$0x196D0];
	[tilespmem:s23+$0x1D730] =	vst v0;
	s23 =	smov.u32 s25  }
0x162: {  	v0 =	vld.idx.msk [tilespmem:v2+s2+$0x0], $0xffff;
	_ =	sdelay $0x5  }
0x163: {  	[tilespmem:s23+$0x1D6C0] =	vst v0;
	v0 =	vld [tilespmem:s23+$0x196E0]  }
0x164: {  	v1 =	vld.idx.msk [tilespmem:v1+s2+$0x0], $0xffff;
	_ =	sdelay $0x5  }
0x165: {  	[tilespmem:s23+$0x1D6D0] =	vst v1;
	v1 =	vld [tilespmem:s23+$0x196F0]  }
0x166: {  	v0 =	vld.idx.msk [tilespmem:v0+s2+$0x0], $0xffff;
	_ =	sdelay $0x5  }
0x167: {  	[tilespmem:s23+$0x1D6E0] =	vst v0;
	v0 =	vld [tilespmem:s23+$0x19700]  }
0x168: {  	v1 =	vld.idx.msk [tilespmem:v1+s2+$0x0], $0xffff;
	_ =	sdelay $0x5  }
0x169: {  	[tilespmem:s23+$0x1D6F0] =	vst v1;
	v1 =	vld [tilespmem:s23+$0x19710]  }
0x16a: {  	v0 =	vld.idx.msk [tilespmem:v0+s2+$0x0], $0xffff;
	_ =	sdelay $0x5  }
0x16b: {  	[tilespmem:s23+$0x1D700] =	vst v0;
	v2 =	vld [tilespmem:s23+$0x19720]  }
0x16c: {  	v0 =	vld.idx.msk [tilespmem:v1+s2+$0x0], $0xffff;
	_ =	sdelay $0x5  }
0x16d: {  	[tilespmem:s23+$0x1D710] =	vst v0;
	v0 =	vld [tilespmem:s23+$0x19730]  }
0x16e: {  	v1 =	vld.idx.msk [tilespmem:v2+s2+$0x0], $0xffff  }
.Ltmp5:
0x16f: {  	(pc) =	sbr.rel @p0 .LBB2_12-.Ltmp5, $2  }
0x170: {  	_ =	sdelay $0x2  }
0x171: {  	s25 =	sshra.s32 s24, $0x2;
	s24 =	sadd.s32 $0x200, s24  }
0x172: {  	_ =	sdelay $0x1  }
0x173: {  	v2 =	vld [tilespmem:s25+$0x196C0]  }
0x174: {  	[tilespmem:s23+$0x1D720] =	vst v1  }
0x175: {  	v0 =	vld.idx.msk [tilespmem:v0+s2+$0x0], $0xffff;
	_ =	sdelay $0x3  }
0x176: {  	v1 =	vld [tilespmem:s25+$0x196D0]  }
0x177: {  	[tilespmem:s23+$0x1D730] =	vst v0  }
0x178: {  	v0 =	vld.idx.msk [tilespmem:v2+s2+$0x0], $0xffff;
	_ =	sdelay $0x4  }
0x179: {  	[tilespmem:s25+$0x1D6C0] =	vst v0;
	v0 =	vld [tilespmem:s25+$0x196E0]  }
0x17a: {  	v1 =	vld.idx.msk [tilespmem:v1+s2+$0x0], $0xffff;
	_ =	sdelay $0x4  }
0x17b: {  	[tilespmem:s25+$0x1D6D0] =	vst v1;
	v1 =	vld [tilespmem:s25+$0x196F0];
	_ =	sdelay $0x1  }
0x17c: {  	v0 =	vld.idx.msk [tilespmem:v0+s2+$0x0], $0xffff;
	_ =	sdelay $0x4  }
0x17d: {  	[tilespmem:s25+$0x1D6E0] =	vst v0;
	v0 =	vld [tilespmem:s25+$0x19700]  }
0x17e: {  	v1 =	vld.idx.msk [tilespmem:v1+s2+$0x0], $0xffff;
	_ =	sdelay $0x4  }
0x17f: {  	[tilespmem:s25+$0x1D6F0] =	vst v1;
	v1 =	vld [tilespmem:s25+$0x19710];
	_ =	sdelay $0x1  }
0x180: {  	v0 =	vld.idx.msk [tilespmem:v0+s2+$0x0], $0xffff;
	_ =	sdelay $0x4  }
0x181: {  	[tilespmem:s25+$0x1D700] =	vst v0;
	v0 =	vld [tilespmem:s25+$0x19720]  }
0x182: {  	v1 =	vld.idx.msk [tilespmem:v1+s2+$0x0], $0xffff;
	_ =	sdelay $0x4  }
0x183: {  	[tilespmem:s25+$0x1D710] =	vst v1;
	v1 =	vld [tilespmem:s25+$0x19730];
	_ =	sdelay $0x1  }
0x184: {  	v0 =	vld.idx.msk [tilespmem:v0+s2+$0x0], $0xffff;
	_ =	sdelay $0x4  }
0x185: {  	[tilespmem:s25+$0x1D720] =	vst v0  }
0x186: {  	v0 =	vld.idx.msk [tilespmem:v1+s2+$0x0], $0xffff;
	_ =	sdelay $0x4  }
0x187: {  	[tilespmem:s25+$0x1D730] =	vst v0  }
0x188: {  	[hbm4b:s11+s17] =	stream.strided.scatter [tilespmem:s20], [sflag:$0x1], $0x1000, s18, s17, $0x38;
	[tilespmem:$0x1E700] =	vst v63  }
0x189: {  	_ =	swait.ge [sflag:s21], $0x1000  }
0x18a: {  	[sflag:s21] =	ssyncset.done $0x0  }
0x18b: {  	s23 =	simm.s32 $0x0;
	[sflag:s21] =	ssyncadd.s32 $0xFFFFF000  }
0x18c: {  	v0 =	vld [tilespmem:s23+$0x1A700];
	_ =	sdelay $0x5  }
0x18d: {  	v1 =	vld [tilespmem:s23+$0x1A710];
	_ =	sdelay $0x1  }
0x18e: {  	v0 =	vld.idx.msk [tilespmem:v0+s2+$0x0], $0xffff;
	_ =	sdelay $0x4  }
0x18f: {  	[tilespmem:s23+$0x1C700] =	vst v0;
	v0 =	vld [tilespmem:s23+$0x1A720]  }
0x190: {  	v1 =	vld.idx.msk [tilespmem:v1+s2+$0x0], $0xffff;
	_ =	sdelay $0x4  }
0x191: {  	[tilespmem:s23+$0x1C710] =	vst v1;
	v1 =	vld [tilespmem:s23+$0x1A730];
	_ =	sdelay $0x1  }
0x192: {  	v0 =	vld.idx.msk [tilespmem:v0+s2+$0x0], $0xffff;
	_ =	sdelay $0x4  }
0x193: {  	[tilespmem:s23+$0x1C720] =	vst v0;
	v0 =	vld [tilespmem:s23+$0x1A740]  }
0x194: {  	v1 =	vld.idx.msk [tilespmem:v1+s2+$0x0], $0xffff;
	_ =	sdelay $0x4  }
0x195: {  	[tilespmem:s23+$0x1C730] =	vst v1;
	v1 =	vld [tilespmem:s23+$0x1A750];
	_ =	sdelay $0x1  }
0x196: {  	v0 =	vld.idx.msk [tilespmem:v0+s2+$0x0], $0xffff;
	_ =	sdelay $0x4  }
0x197: {  	v2 =	vld [tilespmem:s23+$0x1A760];
	[tilespmem:s23+$0x1C740] =	vst v0  }
0x198: {  	v0 =	vld.idx.msk [tilespmem:v1+s2+$0x0], $0xffff;
	_ =	sdelay $0x4  }
0x199: {  	[tilespmem:s23+$0x1C750] =	vst v0;
	v0 =	vld [tilespmem:s23+$0x1A770];
	_ =	sdelay $0x1  }
0x19a: {  	v1 =	vld.idx.msk [tilespmem:v2+s2+$0x0], $0xffff;
	_ =	sdelay $0x3  }
0x19b: {  	s24 =	simm.s32 $0x400;
	s25 =	simm.s32 $0x80  }
.LBB2_14:
0x19c: {  	p0 =	sne.s32 s24, $0x3E00;
	v2 =	vld [tilespmem:s25+$0x1A700];
	[tilespmem:s23+$0x1C760] =	vst v1  }
0x19d: {  	v0 =	vld.idx.msk [tilespmem:v0+s2+$0x0], $0xffff;
	_ =	sdelay $0x5  }
0x19e: {  	v1 =	vld [tilespmem:s25+$0x1A710];
	[tilespmem:s23+$0x1C770] =	vst v0;
	s23 =	smov.u32 s25  }
0x19f: {  	v0 =	vld.idx.msk [tilespmem:v2+s2+$0x0], $0xffff;
	_ =	sdelay $0x5  }
0x1a0: {  	[tilespmem:s23+$0x1C700] =	vst v0;
	v0 =	vld [tilespmem:s23+$0x1A720]  }
0x1a1: {  	v1 =	vld.idx.msk [tilespmem:v1+s2+$0x0], $0xffff;
	_ =	sdelay $0x5  }
0x1a2: {  	[tilespmem:s23+$0x1C710] =	vst v1;
	v1 =	vld [tilespmem:s23+$0x1A730]  }
0x1a3: {  	v0 =	vld.idx.msk [tilespmem:v0+s2+$0x0], $0xffff;
	_ =	sdelay $0x5  }
0x1a4: {  	[tilespmem:s23+$0x1C720] =	vst v0;
	v0 =	vld [tilespmem:s23+$0x1A740]  }
0x1a5: {  	v1 =	vld.idx.msk [tilespmem:v1+s2+$0x0], $0xffff;
	_ =	sdelay $0x5  }
0x1a6: {  	[tilespmem:s23+$0x1C730] =	vst v1;
	v1 =	vld [tilespmem:s23+$0x1A750]  }
0x1a7: {  	v0 =	vld.idx.msk [tilespmem:v0+s2+$0x0], $0xffff;
	_ =	sdelay $0x5  }
0x1a8: {  	[tilespmem:s23+$0x1C740] =	vst v0;
	v2 =	vld [tilespmem:s23+$0x1A760]  }
0x1a9: {  	v0 =	vld.idx.msk [tilespmem:v1+s2+$0x0], $0xffff;
	_ =	sdelay $0x5  }
0x1aa: {  	[tilespmem:s23+$0x1C750] =	vst v0;
	v0 =	vld [tilespmem:s23+$0x1A770]  }
0x1ab: {  	v1 =	vld.idx.msk [tilespmem:v2+s2+$0x0], $0xffff  }
.Ltmp6:
0x1ac: {  	(pc) =	sbr.rel @p0 .LBB2_14-.Ltmp6, $2  }
0x1ad: {  	_ =	sdelay $0x2  }
0x1ae: {  	s25 =	sshra.s32 s24, $0x2;
	s24 =	sadd.s32 $0x200, s24  }
0x1af: {  	_ =	sdelay $0x1  }
0x1b0: {  	v2 =	vld [tilespmem:s25+$0x1A700]  }
0x1b1: {  	[tilespmem:s23+$0x1C760] =	vst v1  }
0x1b2: {  	v0 =	vld.idx.msk [tilespmem:v0+s2+$0x0], $0xffff;
	_ =	sdelay $0x3  }
0x1b3: {  	v1 =	vld [tilespmem:s25+$0x1A710]  }
0x1b4: {  	[tilespmem:s23+$0x1C770] =	vst v0  }
0x1b5: {  	v0 =	vld.idx.msk [tilespmem:v2+s2+$0x0], $0xffff;
	_ =	sdelay $0x4  }
0x1b6: {  	[tilespmem:s25+$0x1C700] =	vst v0;
	v0 =	vld [tilespmem:s25+$0x1A720]  }
0x1b7: {  	v1 =	vld.idx.msk [tilespmem:v1+s2+$0x0], $0xffff;
	_ =	sdelay $0x4  }
0x1b8: {  	[tilespmem:s25+$0x1C710] =	vst v1;
	v1 =	vld [tilespmem:s25+$0x1A730];
	_ =	sdelay $0x1  }
0x1b9: {  	v0 =	vld.idx.msk [tilespmem:v0+s2+$0x0], $0xffff;
	_ =	sdelay $0x4  }
0x1ba: {  	[tilespmem:s25+$0x1C720] =	vst v0;
	v0 =	vld [tilespmem:s25+$0x1A740]  }
0x1bb: {  	v1 =	vld.idx.msk [tilespmem:v1+s2+$0x0], $0xffff;
	_ =	sdelay $0x4  }
0x1bc: {  	[tilespmem:s25+$0x1C730] =	vst v1;
	v1 =	vld [tilespmem:s25+$0x1A750];
	_ =	sdelay $0x1  }
0x1bd: {  	v0 =	vld.idx.msk [tilespmem:v0+s2+$0x0], $0xffff;
	_ =	sdelay $0x4  }
0x1be: {  	[tilespmem:s25+$0x1C740] =	vst v0;
	v0 =	vld [tilespmem:s25+$0x1A760]  }
0x1bf: {  	v1 =	vld.idx.msk [tilespmem:v1+s2+$0x0], $0xffff;
	_ =	sdelay $0x4  }
0x1c0: {  	[tilespmem:s25+$0x1C750] =	vst v1;
	v1 =	vld [tilespmem:s25+$0x1A770];
	_ =	sdelay $0x1  }
0x1c1: {  	v0 =	vld.idx.msk [tilespmem:v0+s2+$0x0], $0xffff;
	_ =	sdelay $0x4  }
0x1c2: {  	[tilespmem:s25+$0x1C760] =	vst v0  }
0x1c3: {  	v0 =	vld.idx.msk [tilespmem:v1+s2+$0x0], $0xffff;
	_ =	sdelay $0x4  }
0x1c4: {  	[tilespmem:s25+$0x1C770] =	vst v0  }
0x1c5: {  	[hbm4b:s12+s17] =	stream.strided.scatter [tilespmem:s19], [sflag:$0x1], $0x1000, s18, s17, $0x38;
	[tilespmem:$0x1E700] =	vst v63  }
0x1c6: {  	_ =	swait.ge [sflag:s21], $0x1000  }
0x1c7: {  	[sflag:s21] =	ssyncset.done $0x0  }
0x1c8: {  	s23 =	simm.s32 $0x0;
	[sflag:s21] =	ssyncadd.s32 $0xFFFFF000  }
0x1c9: {  	v0 =	vld [tilespmem:s23+$0x1B700];
	_ =	sdelay $0x5  }
0x1ca: {  	v1 =	vld [tilespmem:s23+$0x1B710];
	_ =	sdelay $0x1  }
0x1cb: {  	v0 =	vld.idx.msk [tilespmem:v0+s2+$0x0], $0xffff;
	_ =	sdelay $0x4  }
0x1cc: {  	[tilespmem:s23+$0x1D700] =	vst v0;
	v0 =	vld [tilespmem:s23+$0x1B720]  }
0x1cd: {  	v1 =	vld.idx.msk [tilespmem:v1+s2+$0x0], $0xffff;
	_ =	sdelay $0x4  }
0x1ce: {  	[tilespmem:s23+$0x1D710] =	vst v1;
	v1 =	vld [tilespmem:s23+$0x1B730];
	_ =	sdelay $0x1  }
0x1cf: {  	v0 =	vld.idx.msk [tilespmem:v0+s2+$0x0], $0xffff;
	_ =	sdelay $0x4  }
0x1d0: {  	[tilespmem:s23+$0x1D720] =	vst v0;
	v0 =	vld [tilespmem:s23+$0x1B740]  }
0x1d1: {  	v1 =	vld.idx.msk [tilespmem:v1+s2+$0x0], $0xffff;
	_ =	sdelay $0x4  }
0x1d2: {  	[tilespmem:s23+$0x1D730] =	vst v1;
	v1 =	vld [tilespmem:s23+$0x1B750];
	_ =	sdelay $0x1  }
0x1d3: {  	v0 =	vld.idx.msk [tilespmem:v0+s2+$0x0], $0xffff;
	_ =	sdelay $0x4  }
0x1d4: {  	v2 =	vld [tilespmem:s23+$0x1B760];
	[tilespmem:s23+$0x1D740] =	vst v0  }
0x1d5: {  	v0 =	vld.idx.msk [tilespmem:v1+s2+$0x0], $0xffff;
	_ =	sdelay $0x4  }
0x1d6: {  	[tilespmem:s23+$0x1D750] =	vst v0;
	v0 =	vld [tilespmem:s23+$0x1B770];
	_ =	sdelay $0x1  }
0x1d7: {  	v1 =	vld.idx.msk [tilespmem:v2+s2+$0x0], $0xffff;
	_ =	sdelay $0x3  }
0x1d8: {  	s24 =	simm.s32 $0x400;
	s25 =	simm.s32 $0x80  }
.LBB2_16:
0x1d9: {  	p0 =	sne.s32 s24, $0x3E00;
	v2 =	vld [tilespmem:s25+$0x1B700];
	[tilespmem:s23+$0x1D760] =	vst v1  }
0x1da: {  	v0 =	vld.idx.msk [tilespmem:v0+s2+$0x0], $0xffff;
	_ =	sdelay $0x5  }
0x1db: {  	v1 =	vld [tilespmem:s25+$0x1B710];
	[tilespmem:s23+$0x1D770] =	vst v0;
	s23 =	smov.u32 s25  }
0x1dc: {  	v0 =	vld.idx.msk [tilespmem:v2+s2+$0x0], $0xffff;
	_ =	sdelay $0x5  }
0x1dd: {  	[tilespmem:s23+$0x1D700] =	vst v0;
	v0 =	vld [tilespmem:s23+$0x1B720]  }
0x1de: {  	v1 =	vld.idx.msk [tilespmem:v1+s2+$0x0], $0xffff;
	_ =	sdelay $0x5  }
0x1df: {  	[tilespmem:s23+$0x1D710] =	vst v1;
	v1 =	vld [tilespmem:s23+$0x1B730]  }
0x1e0: {  	v0 =	vld.idx.msk [tilespmem:v0+s2+$0x0], $0xffff;
	_ =	sdelay $0x5  }
0x1e1: {  	[tilespmem:s23+$0x1D720] =	vst v0;
	v0 =	vld [tilespmem:s23+$0x1B740]  }
0x1e2: {  	v1 =	vld.idx.msk [tilespmem:v1+s2+$0x0], $0xffff;
	_ =	sdelay $0x5  }
0x1e3: {  	[tilespmem:s23+$0x1D730] =	vst v1;
	v1 =	vld [tilespmem:s23+$0x1B750]  }
0x1e4: {  	v0 =	vld.idx.msk [tilespmem:v0+s2+$0x0], $0xffff;
	_ =	sdelay $0x5  }
0x1e5: {  	[tilespmem:s23+$0x1D740] =	vst v0;
	v2 =	vld [tilespmem:s23+$0x1B760]  }
0x1e6: {  	v0 =	vld.idx.msk [tilespmem:v1+s2+$0x0], $0xffff;
	_ =	sdelay $0x5  }
0x1e7: {  	[tilespmem:s23+$0x1D750] =	vst v0;
	v0 =	vld [tilespmem:s23+$0x1B770]  }
0x1e8: {  	v1 =	vld.idx.msk [tilespmem:v2+s2+$0x0], $0xffff  }
.Ltmp7:
0x1e9: {  	(pc) =	sbr.rel @p0 .LBB2_16-.Ltmp7, $2  }
0x1ea: {  	_ =	sdelay $0x2  }
0x1eb: {  	s25 =	sshra.s32 s24, $0x2;
	s24 =	sadd.s32 $0x200, s24  }
0x1ec: {  	_ =	sdelay $0x1  }
0x1ed: {  	v2 =	vld [tilespmem:s25+$0x1B700]  }
0x1ee: {  	[tilespmem:s23+$0x1D760] =	vst v1  }
0x1ef: {  	v0 =	vld.idx.msk [tilespmem:v0+s2+$0x0], $0xffff;
	_ =	sdelay $0x3  }
0x1f0: {  	v1 =	vld [tilespmem:s25+$0x1B710]  }
0x1f1: {  	[tilespmem:s23+$0x1D770] =	vst v0  }
0x1f2: {  	v0 =	vld.idx.msk [tilespmem:v2+s2+$0x0], $0xffff;
	_ =	sdelay $0x3  }
0x1f3: {  	v58 =	vld [tilespmem:s25+$0x1B720]  }
0x1f4: {  	[tilespmem:s25+$0x1D700] =	vst v0  }
0x1f5: {  	v1 =	vld.idx.msk [tilespmem:v1+s2+$0x0], $0xffff;
	_ =	sdelay $0x3  }
0x1f6: {  	v59 =	vld [tilespmem:s25+$0x1B730]  }
0x1f7: {  	[tilespmem:s25+$0x1D710] =	vst v1  }
0x1f8: {  	v0 =	vld.idx.msk [tilespmem:v58+s2+$0x0], $0xffff;
	_ =	sdelay $0x3  }
0x1f9: {  	v60 =	vld [tilespmem:s25+$0x1B740]  }
0x1fa: {  	[tilespmem:s25+$0x1D720] =	vst v0  }
0x1fb: {  	v1 =	vld.idx.msk [tilespmem:v59+s2+$0x0], $0xffff;
	_ =	sdelay $0x3  }
0x1fc: {  	v61 =	vld [tilespmem:s25+$0x1B750]  }
0x1fd: {  	[tilespmem:s25+$0x1D730] =	vst v1  }
0x1fe: {  	v0 =	vld.idx.msk [tilespmem:v60+s2+$0x0], $0xffff;
	_ =	sdelay $0x3  }
0x1ff: {  	v62 =	vld [tilespmem:s25+$0x1B760]  }
0x200: {  	[tilespmem:s25+$0x1D740] =	vst v0  }
0x201: {  	v1 =	vld.idx.msk [tilespmem:v61+s2+$0x0], $0xffff;
	_ =	sdelay $0x3  }
0x202: {  	v63 =	vld [tilespmem:s25+$0x1B770]  }
0x203: {  	[tilespmem:s25+$0x1D750] =	vst v1  }
0x204: {  	v0 =	vld.idx.msk [tilespmem:v62+s2+$0x0], $0xffff;
	_ =	sdelay $0x4  }
0x205: {  	[tilespmem:s25+$0x1D760] =	vst v0  }
0x206: {  	v0 =	vld.idx.msk [tilespmem:v63+s2+$0x0], $0xffff;
	_ =	sdelay $0x4  }
0x207: {  	s22 =	sadd.s32 $0x1, s22;
	[tilespmem:s25+$0x1D770] =	vst v0  }
0x208: {  	[hbm4b:s13+s17] =	stream.strided.scatter [tilespmem:s20], [sflag:$0x1], $0x1000, s18, s17, $0x38;
	[tilespmem:$0x1E700] =	vst v63  }
0x209: {  	p0 =	sne.s32 s22, s14;
	_ =	swait.ge [sflag:s21], $0x1000  }
.Ltmp8:
0x20a: {  	[sflag:s21] =	ssyncset.done $0x0;
	(pc) =	sbr.rel @p0 .LBB2_1-.Ltmp8, $4  }
0x20b: {  	[sflag:s21] =	ssyncadd.s32 $0xFFFFF000  }
0x20c: {  	_ =	swait.ge [sflag:s21], $0x1000  }
0x20d: {  	[sflag:s21] =	ssyncset.done $0x0  }
0x20e: {  	[sflag:s21] =	ssyncadd.s32 $0xFFFFF000  }
0x20f: {  	_ =	sfence.sel $0x180000  }
0x210: {  	[bflag:$0x0] =	sbarrier.arrive $0xFFFF  }
0x211: {  	p0 =	sne.s32 s3, $0x0;
	_ =	strace $0x90000047  }
0x212: {  	s0 =	sadd.s32 @!p0 $0x100000, s0;
	[bflag:$0x2] =	sbarrier.arrive $0xFFFF  }
0x213: {  	[sflag:s0] =	ssyncadd.tile.s32 @!p0 $0x1;
	_ =	shalt  }
.Lfunc_end2:
_tile_overlayer_lowered:
.L_overlay_start_2:
0x214: {  	(tag) =	ssettag $0x2  }
0x215: {  	s0 =	rddreg [dreg:$0x0];
	s2 =	stileid.u32  }
0x216: {  	s1 =	rddreg [dreg:$0x1];
	p0 =	sne.s32 s2, $0x0  }
0x217: {  	s3 =	rddreg [dreg:$0x2];
	[bflag:$0x3] =	sbarrier.arrive $0xFFFF;
	s2 =	simm.s32 @!p0 $0x1C02  }
0x218: {  	[timem:s3], [sflag:s2] =	dma.local @!p0 [hbm:s0], s1  }
0x219: {  	s0 =	simm.s32 @!p0 $0x2  }
0x21a: {  	_ =	swait.ge @!p0 [sflag:s0], s1  }
0x21b: {  	s1 =	ssub.s32 @!p0 $0x0, s1;
	[sflag:s0] =	ssyncset.done @!p0 $0x0  }
0x21c: {  	[sflag:s0] =	ssyncadd.s32 @!p0 s1  }
0x21d: {  	[bflag:$0x3] =	sbarrier.arrive $0xFFFF  }
0x21e: {  	_ =	shalt  }

</sc_bundles>
